<compile_context>
chip_gen: v7x
topology: tpu7x:2x2x1
jax: 0.10.2.dev20260603
libtpu: 0.0.44.dev20260713+nightly
codegen_flags: <defaults>
</compile_context>

<pallas_src>
import functools

import jax
import jax.numpy as jnp
from jax import lax
from jax.experimental import pallas as pl
from jax.experimental.pallas import tpu as pltpu
from jax.experimental.pallas import tpu_sc as plsc


def _proj_body(x_ref, w_ref, b_ref, o_ref):
    o_ref[...] = (
        jnp.dot(x_ref[...], w_ref[...], preferred_element_type=jnp.float32)
        + b_ref[0:1, :]
    )


def _project_table(word_table, W, b, pack=4, blk=2000):
    V, D = word_table.shape
    w_bd = jnp.kron(jnp.eye(pack, dtype=W.dtype), W.T)
    b_rep = jnp.broadcast_to(jnp.tile(b, pack)[None, :], (8, pack * D))
    x = word_table.reshape(V // pack, pack * D)
    n_rows = V // pack
    proj = pl.pallas_call(
        _proj_body,
        grid=(n_rows // blk,),
        in_specs=[
            pl.BlockSpec((blk, pack * D), lambda i: (i, 0)),
            pl.BlockSpec((pack * D, pack * D), lambda i: (0, 0)),
            pl.BlockSpec((8, pack * D), lambda i: (0, 0)),
        ],
        out_specs=pl.BlockSpec((blk, pack * D), lambda i: (i, 0)),
        out_shape=jax.ShapeDtypeStruct((n_rows, pack * D), jnp.float32),
    )(x, w_bd, b_rep)
    return proj.reshape(V, D)


_GL = 128


def _make_sc_gather(V, D, NW, per_w, ch):
    n_grp = per_w // _GL
    g_per_ch = ch // _GL
    n_pairs = per_w // (2 * ch)
    assert n_pairs * 2 * ch == per_w

    mesh = plsc.VectorSubcoreMesh(core_axis_name="c", subcore_axis_name="s")

    @functools.partial(
        pl.kernel,
        out_type=jax.ShapeDtypeStruct((NW * per_w, D), jnp.float32),
        mesh=mesh,
        scratch_types=[
            pltpu.VMEM((n_grp, _GL), jnp.int32),
            pltpu.VMEM((2, ch, D), jnp.float32),
            pltpu.SemaphoreType.DMA,
            pltpu.SemaphoreType.DMA,
        ],
        compiler_params=pltpu.CompilerParams(use_tc_tiling_on_sc=False),
    )
    def sc_gather(ptab_hbm, idx_hbm, out_hbm, idx_v, rows_v, sem0, sem1):
        wid = lax.axis_index("s") * 2 + lax.axis_index("c")
        base = wid * per_w
        pltpu.sync_copy(idx_hbm.at[wid], idx_v)
        sems = (sem0, sem1)

        @pl.loop(0, n_pairs)
        def _pair(i):
            handles = ([], [])
            for bb in range(2):
                cidx = i * 2 + bb
                for g in range(g_per_ch):
                    row = cidx * g_per_ch + g
                    handles[bb].append(
                        pltpu.async_copy(
                            ptab_hbm.at[idx_v.at[row]],
                            rows_v.at[bb, pl.ds(g * _GL, _GL)],
                            sems[bb],
                        )
                    )
            for bb in range(2):
                for h in handles[bb]:
                    h.wait()
                cidx = i * 2 + bb
                pltpu.sync_copy(
                    rows_v.at[bb], out_hbm.at[pl.ds(base + cidx * ch, ch)]
                )

    return sc_gather


def kernel(inputs, word_table, W, b):
    V, D = word_table.shape
    B, L = inputs.shape
    ptab = _project_table(word_table, W, b)

    NW = 32
    total = B * L
    per_w = total // NW
    idx3 = inputs.reshape(NW, per_w // _GL, _GL)
    out2 = _make_sc_gather(V, D, NW, per_w, ch=512)(ptab, idx3)
    return out2.reshape(B, L, D)

# --- scband reference (transcript-rebuilt; emitter-appended) ---
"""Pipeline reference for scband-combined-base-37314675868286 (READ-ONLY COPY).

The authoritative reference and input builder live on the scoring server;
editing this copy changes nothing except your own understanding.
"""

import jax, jax.numpy as jnp
import numpy as np

WORD_VOCAB = 1000000
EMB_DIM = 64
BATCH = 4096
HIST = 200


def setup_inputs(seed: int = 0) -> dict:
    key = jax.random.key(seed)
    k1, k2, k3, k4 = jax.random.split(key, 4)
    inputs = jax.random.randint(k1, (BATCH, HIST), 0, WORD_VOCAB, dtype=jnp.int32)
    word_table = jax.random.normal(k2, (WORD_VOCAB, EMB_DIM), dtype=jnp.float32) * 0.02
    # padding_idx=0 row is conventionally zero
    word_table = word_table.at[0].set(0.0)
    W = jax.random.normal(k3, (EMB_DIM, EMB_DIM), dtype=jnp.float32) * (1.0 / np.sqrt(EMB_DIM))
    b = jax.random.normal(k4, (EMB_DIM,), dtype=jnp.float32) * 0.01
    return {"inputs": inputs, "word_table": word_table, "W": W, "b": b}


def reference(inputs, word_table, W, b):
    # Embedding lookup (nn.Embedding with padding_idx=0: lookup is a plain gather)
    emb = jnp.take(word_table, inputs, axis=0)          # [B, L, D]
    # orig_linear: nn.Linear applied to the looked-up word vectors; torch Linear
    # stores weight as [out, in], so y = x @ W.T + b
    out = emb @ W.T + b                                  # [B, L, D]
    return out

if __name__ == "__main__":
    import jax
    _d = setup_inputs()
    print(jax.jit(kernel)(*tuple(_d.values())))

</pallas_src>

<mosaic_0001>
#map = affine_map<(d0, d1) -> (0, 0)>
#map1 = affine_map<(d0, d1) -> (0, 0, 0)>
module attributes {stable_mosaic.version = 14 : i64} {
  func.func @sc_gather(%arg0: i32, %arg1: i32, %arg2: memref<1000000x64xf32, #tpu.memory_space<hbm>>, %arg3: memref<32x200x128xi32, #tpu.memory_space<hbm>>, %arg4: memref<819200x64xf32, #tpu.memory_space<hbm>>, %arg5: memref<200x128xi32, #tpu.memory_space<vmem>>, %arg6: memref<2x512x64xf32, #tpu.memory_space<vmem>>, %arg7: memref<!tpu.dma_semaphore, #tpu.memory_space<semaphore_mem>>, %arg8: memref<!tpu.dma_semaphore, #tpu.memory_space<semaphore_mem>>) attributes {dimension_semantics = [#tpu.dimension_semantics<core_parallel>, #tpu.dimension_semantics<subcore_parallel>], iteration_bounds = array<i64: 2, 16>, scalar_prefetch = 0 : i64, scratch_operands = 4 : i64, tpu.core_type = #tpu.core_type<sc_vector_subcore>, window_params = [{transform_indices = #map}, {transform_indices = #map1}, {transform_indices = #map}]} {
    %mul3A = arith.constant 2 : i32
    %mul3A_0 = arith.muli %arg1, %mul3A : i32
    %add3A = arith.addi %mul3A_0, %arg0 : i32
    %mul3A_1 = arith.constant 25600 : i32
    %mul3A_2 = arith.muli %add3A, %mul3A_1 : i32
    "tpu.region"() ({
      %run_scoped3A = tpu.sem_alloc : memref<!tpu.dma_semaphore, #tpu.memory_space<semaphore_mem>>
      %dma_start3A = arith.constant 0 : i32
      %dma_start3A_7 = arith.constant 0 : i32
      %dma_start3A_8 = tpu.memref_slice %arg3[%add3A, %dma_start3A, %dma_start3A_7] : memref<32x200x128xi32, #tpu.memory_space<hbm>> -> memref<1x200x128xi32, #tpu.memory_space<hbm>>
      %dma_start3A_9 = tpu.memref_squeeze %dma_start3A_8 : memref<1x200x128xi32, #tpu.memory_space<hbm>> -> memref<200x128xi32, #tpu.memory_space<hbm>>
      %dma_start3A_10 = arith.constant 0 : i32
      %dma_start3A_11 = arith.constant 0 : i32
      %dma_start3A_12 = tpu.memref_slice %arg3[%add3A, %dma_start3A_10, %dma_start3A_11] : memref<32x200x128xi32, #tpu.memory_space<hbm>> -> memref<1x200x128xi32, #tpu.memory_space<hbm>>
      %dma_start3A_13 = tpu.memref_squeeze %dma_start3A_12 : memref<1x200x128xi32, #tpu.memory_space<hbm>> -> memref<200x128xi32, #tpu.memory_space<hbm>>
      tpu.enqueue_dma source(%dma_start3A_13 : memref<200x128xi32, #tpu.memory_space<hbm>>) target(%arg5 : memref<200x128xi32, #tpu.memory_space<vmem>>) target_semaphore(%run_scoped3A : memref<!tpu.dma_semaphore, #tpu.memory_space<semaphore_mem>>)
      %dma_wait3A = arith.constant 0 : i32
      %dma_wait3A_14 = arith.constant 0 : i32
      %dma_wait3A_15 = tpu.memref_slice %arg3[%add3A, %dma_wait3A, %dma_wait3A_14] : memref<32x200x128xi32, #tpu.memory_space<hbm>> -> memref<1x200x128xi32, #tpu.memory_space<hbm>>
      %dma_wait3A_16 = tpu.memref_squeeze %dma_wait3A_15 : memref<1x200x128xi32, #tpu.memory_space<hbm>> -> memref<200x128xi32, #tpu.memory_space<hbm>>
      %dma_wait3A_17 = arith.constant 0 : i32
      %dma_wait3A_18 = arith.constant 0 : i32
      %dma_wait3A_19 = tpu.memref_slice %arg3[%add3A, %dma_wait3A_17, %dma_wait3A_18] : memref<32x200x128xi32, #tpu.memory_space<hbm>> -> memref<1x200x128xi32, #tpu.memory_space<hbm>>
      %dma_wait3A_20 = tpu.memref_squeeze %dma_wait3A_19 : memref<1x200x128xi32, #tpu.memory_space<hbm>> -> memref<200x128xi32, #tpu.memory_space<hbm>>
      tpu.wait_dma2 semaphore(%run_scoped3A : memref<!tpu.dma_semaphore, #tpu.memory_space<semaphore_mem>>) src(%dma_wait3A_20 : memref<200x128xi32, #tpu.memory_space<hbm>>) dst(%arg5 : memref<200x128xi32, #tpu.memory_space<vmem>>)
      tpu.yield
    }) : () -> ()
    %scan3A = arith.constant 0 : i32
    %scan3A_3 = arith.constant 25 : i32
    %scan3A_4 = arith.addi %scan3A, %scan3A_3 : i32
    %scan3A_5 = arith.constant 1 : i32
    scf.for %scan3A_7 = %scan3A to %scan3A_4 step %scan3A_5  : i32 {
      %mul3A_8 = arith.constant 1 : i32
      %mul3A_9 = arith.muli %scan3A_7, %mul3A_8 : i32
      %add3A_10 = arith.constant 0 : i32
      %add3A_11 = arith.addi %add3A_10, %mul3A_9 : i32
      %mul3A_12 = arith.constant 2 : i32
      %mul3A_13 = arith.muli %add3A_11, %mul3A_12 : i32
      %add3A_14 = arith.constant 0 : i32
      %add3A_15 = arith.addi %mul3A_13, %add3A_14 : i32
      %mul3A_16 = arith.constant 4 : i32
      %mul3A_17 = arith.muli %add3A_15, %mul3A_16 : i32
      %add3A_18 = arith.constant 0 : i32
      %add3A_19 = arith.addi %mul3A_17, %add3A_18 : i32
      %dma_start3A = arith.constant 0 : i32
      %dma_start3A_20 = arith.constant 0 : i32
      %dma_start3A_21 = arith.constant 0 : i32
      %dma_start3A_22 = tpu.memref_slice %arg6[%dma_start3A, %dma_start3A_20, %dma_start3A_21] : memref<2x512x64xf32, #tpu.memory_space<vmem>> -> memref<1x128x64xf32, #tpu.memory_space<vmem>>
      %dma_start3A_23 = tpu.memref_squeeze %dma_start3A_22 : memref<1x128x64xf32, #tpu.memory_space<vmem>> -> memref<128x64xf32, #tpu.memory_space<vmem>>
      %dma_start3A_24 = arith.constant 0 : i32
      %dma_start3A_25 = tpu.memref_slice %arg5[%add3A_19, %dma_start3A_24] : memref<200x128xi32, #tpu.memory_space<vmem>> -> memref<1x128xi32, #tpu.memory_space<vmem>>
      %dma_start3A_26 = tpu.memref_squeeze %dma_start3A_25 : memref<1x128xi32, #tpu.memory_space<vmem>> -> memref<128xi32, #tpu.memory_space<vmem>>
      %dma_start3A_27 = arith.constant 0 : i32
      %dma_start3A_28 = arith.constant 0 : i32
      %dma_start3A_29 = tpu.memref_slice %arg2[%dma_start3A_27, %dma_start3A_28] : memref<1000000x64xf32, #tpu.memory_space<hbm>> -> memref<1000000x64xf32, #tpu.memory_space<hbm>>
      tpu.enqueue_indirect_dma source(%dma_start3A_29 : memref<1000000x64xf32, #tpu.memory_space<hbm>>) target(%dma_start3A_23 : memref<128x64xf32, #tpu.memory_space<vmem>>) offsets(%dma_start3A_26 : memref<128xi32, #tpu.memory_space<vmem>>) semaphore(%arg7 : memref<!tpu.dma_semaphore, #tpu.memory_space<semaphore_mem>>)
      %mul3A_30 = arith.constant 4 : i32
      %mul3A_31 = arith.muli %add3A_15, %mul3A_30 : i32
      %add3A_32 = arith.constant 1 : i32
      %add3A_33 = arith.addi %mul3A_31, %add3A_32 : i32
      %dma_start3A_34 = arith.constant 0 : i32
      %dma_start3A_35 = arith.constant 128 : i32
      %dma_start3A_36 = arith.constant 0 : i32
      %dma_start3A_37 = tpu.memref_slice %arg6[%dma_start3A_34, %dma_start3A_35, %dma_start3A_36] : memref<2x512x64xf32, #tpu.memory_space<vmem>> -> memref<1x128x64xf32, #tpu.memory_space<vmem>>
      %dma_start3A_38 = tpu.memref_squeeze %dma_start3A_37 : memref<1x128x64xf32, #tpu.memory_space<vmem>> -> memref<128x64xf32, #tpu.memory_space<vmem>>
      %dma_start3A_39 = arith.constant 0 : i32
      %dma_start3A_40 = tpu.memref_slice %arg5[%add3A_33, %dma_start3A_39] : memref<200x128xi32, #tpu.memory_space<vmem>> -> memref<1x128xi32, #tpu.memory_space<vmem>>
      %dma_start3A_41 = tpu.memref_squeeze %dma_start3A_40 : memref<1x128xi32, #tpu.memory_space<vmem>> -> memref<128xi32, #tpu.memory_space<vmem>>
      %dma_start3A_42 = arith.constant 0 : i32
      %dma_start3A_43 = arith.constant 0 : i32
      %dma_start3A_44 = tpu.memref_slice %arg2[%dma_start3A_42, %dma_start3A_43] : memref<1000000x64xf32, #tpu.memory_space<hbm>> -> memref<1000000x64xf32, #tpu.memory_space<hbm>>
      tpu.enqueue_indirect_dma source(%dma_start3A_44 : memref<1000000x64xf32, #tpu.memory_space<hbm>>) target(%dma_start3A_38 : memref<128x64xf32, #tpu.memory_space<vmem>>) offsets(%dma_start3A_41 : memref<128xi32, #tpu.memory_space<vmem>>) semaphore(%arg7 : memref<!tpu.dma_semaphore, #tpu.memory_space<semaphore_mem>>)
      %mul3A_45 = arith.constant 4 : i32
      %mul3A_46 = arith.muli %add3A_15, %mul3A_45 : i32
      %add3A_47 = arith.constant 2 : i32
      %add3A_48 = arith.addi %mul3A_46, %add3A_47 : i32
      %dma_start3A_49 = arith.constant 0 : i32
      %dma_start3A_50 = arith.constant 256 : i32
      %dma_start3A_51 = arith.constant 0 : i32
      %dma_start3A_52 = tpu.memref_slice %arg6[%dma_start3A_49, %dma_start3A_50, %dma_start3A_51] : memref<2x512x64xf32, #tpu.memory_space<vmem>> -> memref<1x128x64xf32, #tpu.memory_space<vmem>>
      %dma_start3A_53 = tpu.memref_squeeze %dma_start3A_52 : memref<1x128x64xf32, #tpu.memory_space<vmem>> -> memref<128x64xf32, #tpu.memory_space<vmem>>
      %dma_start3A_54 = arith.constant 0 : i32
      %dma_start3A_55 = tpu.memref_slice %arg5[%add3A_48, %dma_start3A_54] : memref<200x128xi32, #tpu.memory_space<vmem>> -> memref<1x128xi32, #tpu.memory_space<vmem>>
      %dma_start3A_56 = tpu.memref_squeeze %dma_start3A_55 : memref<1x128xi32, #tpu.memory_space<vmem>> -> memref<128xi32, #tpu.memory_space<vmem>>
      %dma_start3A_57 = arith.constant 0 : i32
      %dma_start3A_58 = arith.constant 0 : i32
      %dma_start3A_59 = tpu.memref_slice %arg2[%dma_start3A_57, %dma_start3A_58] : memref<1000000x64xf32, #tpu.memory_space<hbm>> -> memref<1000000x64xf32, #tpu.memory_space<hbm>>
      tpu.enqueue_indirect_dma source(%dma_start3A_59 : memref<1000000x64xf32, #tpu.memory_space<hbm>>) target(%dma_start3A_53 : memref<128x64xf32, #tpu.memory_space<vmem>>) offsets(%dma_start3A_56 : memref<128xi32, #tpu.memory_space<vmem>>) semaphore(%arg7 : memref<!tpu.dma_semaphore, #tpu.memory_space<semaphore_mem>>)
      %mul3A_60 = arith.constant 4 : i32
      %mul3A_61 = arith.muli %add3A_15, %mul3A_60 : i32
      %add3A_62 = arith.constant 3 : i32
      %add3A_63 = arith.addi %mul3A_61, %add3A_62 : i32
      %dma_start3A_64 = arith.constant 0 : i32
      %dma_start3A_65 = arith.constant 384 : i32
      %dma_start3A_66 = arith.constant 0 : i32
      %dma_start3A_67 = tpu.memref_slice %arg6[%dma_start3A_64, %dma_start3A_65, %dma_start3A_66] : memref<2x512x64xf32, #tpu.memory_space<vmem>> -> memref<1x128x64xf32, #tpu.memory_space<vmem>>
      %dma_start3A_68 = tpu.memref_squeeze %dma_start3A_67 : memref<1x128x64xf32, #tpu.memory_space<vmem>> -> memref<128x64xf32, #tpu.memory_space<vmem>>
      %dma_start3A_69 = arith.constant 0 : i32
      %dma_start3A_70 = tpu.memref_slice %arg5[%add3A_63, %dma_start3A_69] : memref<200x128xi32, #tpu.memory_space<vmem>> -> memref<1x128xi32, #tpu.memory_space<vmem>>
      %dma_start3A_71 = tpu.memref_squeeze %dma_start3A_70 : memref<1x128xi32, #tpu.memory_space<vmem>> -> memref<128xi32, #tpu.memory_space<vmem>>
      %dma_start3A_72 = arith.constant 0 : i32
      %dma_start3A_73 = arith.constant 0 : i32
      %dma_start3A_74 = tpu.memref_slice %arg2[%dma_start3A_72, %dma_start3A_73] : memref<1000000x64xf32, #tpu.memory_space<hbm>> -> memref<1000000x64xf32, #tpu.memory_space<hbm>>
      tpu.enqueue_indirect_dma source(%dma_start3A_74 : memref<1000000x64xf32, #tpu.memory_space<hbm>>) target(%dma_start3A_68 : memref<128x64xf32, #tpu.memory_space<vmem>>) offsets(%dma_start3A_71 : memref<128xi32, #tpu.memory_space<vmem>>) semaphore(%arg7 : memref<!tpu.dma_semaphore, #tpu.memory_space<semaphore_mem>>)
      %mul3A_75 = arith.constant 2 : i32
      %mul3A_76 = arith.muli %add3A_11, %mul3A_75 : i32
      %add3A_77 = arith.constant 1 : i32
      %add3A_78 = arith.addi %mul3A_76, %add3A_77 : i32
      %mul3A_79 = arith.constant 4 : i32
      %mul3A_80 = arith.muli %add3A_78, %mul3A_79 : i32
      %add3A_81 = arith.constant 0 : i32
      %add3A_82 = arith.addi %mul3A_80, %add3A_81 : i32
      %dma_start3A_83 = arith.constant 1 : i32
      %dma_start3A_84 = arith.constant 0 : i32
      %dma_start3A_85 = arith.constant 0 : i32
      %dma_start3A_86 = tpu.memref_slice %arg6[%dma_start3A_83, %dma_start3A_84, %dma_start3A_85] : memref<2x512x64xf32, #tpu.memory_space<vmem>> -> memref<1x128x64xf32, #tpu.memory_space<vmem>>
      %dma_start3A_87 = tpu.memref_squeeze %dma_start3A_86 : memref<1x128x64xf32, #tpu.memory_space<vmem>> -> memref<128x64xf32, #tpu.memory_space<vmem>>
      %dma_start3A_88 = arith.constant 0 : i32
      %dma_start3A_89 = tpu.memref_slice %arg5[%add3A_82, %dma_start3A_88] : memref<200x128xi32, #tpu.memory_space<vmem>> -> memref<1x128xi32, #tpu.memory_space<vmem>>
      %dma_start3A_90 = tpu.memref_squeeze %dma_start3A_89 : memref<1x128xi32, #tpu.memory_space<vmem>> -> memref<128xi32, #tpu.memory_space<vmem>>
      %dma_start3A_91 = arith.constant 0 : i32
      %dma_start3A_92 = arith.constant 0 : i32
      %dma_start3A_93 = tpu.memref_slice %arg2[%dma_start3A_91, %dma_start3A_92] : memref<1000000x64xf32, #tpu.memory_space<hbm>> -> memref<1000000x64xf32, #tpu.memory_space<hbm>>
      tpu.enqueue_indirect_dma source(%dma_start3A_93 : memref<1000000x64xf32, #tpu.memory_space<hbm>>) target(%dma_start3A_87 : memref<128x64xf32, #tpu.memory_space<vmem>>) offsets(%dma_start3A_90 : memref<128xi32, #tpu.memory_space<vmem>>) semaphore(%arg8 : memref<!tpu.dma_semaphore, #tpu.memory_space<semaphore_mem>>)
      %mul3A_94 = arith.constant 4 : i32
      %mul3A_95 = arith.muli %add3A_78, %mul3A_94 : i32
      %add3A_96 = arith.constant 1 : i32
      %add3A_97 = arith.addi %mul3A_95, %add3A_96 : i32
      %dma_start3A_98 = arith.constant 1 : i32
      %dma_start3A_99 = arith.constant 128 : i32
      %dma_start3A_100 = arith.constant 0 : i32
      %dma_start3A_101 = tpu.memref_slice %arg6[%dma_start3A_98, %dma_start3A_99, %dma_start3A_100] : memref<2x512x64xf32, #tpu.memory_space<vmem>> -> memref<1x128x64xf32, #tpu.memory_space<vmem>>
      %dma_start3A_102 = tpu.memref_squeeze %dma_start3A_101 : memref<1x128x64xf32, #tpu.memory_space<vmem>> -> memref<128x64xf32, #tpu.memory_space<vmem>>
      %dma_start3A_103 = arith.constant 0 : i32
      %dma_start3A_104 = tpu.memref_slice %arg5[%add3A_97, %dma_start3A_103] : memref<200x128xi32, #tpu.memory_space<vmem>> -> memref<1x128xi32, #tpu.memory_space<vmem>>
      %dma_start3A_105 = tpu.memref_squeeze %dma_start3A_104 : memref<1x128xi32, #tpu.memory_space<vmem>> -> memref<128xi32, #tpu.memory_space<vmem>>
      %dma_start3A_106 = arith.constant 0 : i32
      %dma_start3A_107 = arith.constant 0 : i32
      %dma_start3A_108 = tpu.memref_slice %arg2[%dma_start3A_106, %dma_start3A_107] : memref<1000000x64xf32, #tpu.memory_space<hbm>> -> memref<1000000x64xf32, #tpu.memory_space<hbm>>
      tpu.enqueue_indirect_dma source(%dma_start3A_108 : memref<1000000x64xf32, #tpu.memory_space<hbm>>) target(%dma_start3A_102 : memref<128x64xf32, #tpu.memory_space<vmem>>) offsets(%dma_start3A_105 : memref<128xi32, #tpu.memory_space<vmem>>) semaphore(%arg8 : memref<!tpu.dma_semaphore, #tpu.memory_space<semaphore_mem>>)
      %mul3A_109 = arith.constant 4 : i32
      %mul3A_110 = arith.muli %add3A_78, %mul3A_109 : i32
      %add3A_111 = arith.constant 2 : i32
      %add3A_112 = arith.addi %mul3A_110, %add3A_111 : i32
      %dma_start3A_113 = arith.constant 1 : i32
      %dma_start3A_114 = arith.constant 256 : i32
      %dma_start3A_115 = arith.constant 0 : i32
      %dma_start3A_116 = tpu.memref_slice %arg6[%dma_start3A_113, %dma_start3A_114, %dma_start3A_115] : memref<2x512x64xf32, #tpu.memory_space<vmem>> -> memref<1x128x64xf32, #tpu.memory_space<vmem>>
      %dma_start3A_117 = tpu.memref_squeeze %dma_start3A_116 : memref<1x128x64xf32, #tpu.memory_space<vmem>> -> memref<128x64xf32, #tpu.memory_space<vmem>>
      %dma_start3A_118 = arith.constant 0 : i32
      %dma_start3A_119 = tpu.memref_slice %arg5[%add3A_112, %dma_start3A_118] : memref<200x128xi32, #tpu.memory_space<vmem>> -> memref<1x128xi32, #tpu.memory_space<vmem>>
      %dma_start3A_120 = tpu.memref_squeeze %dma_start3A_119 : memref<1x128xi32, #tpu.memory_space<vmem>> -> memref<128xi32, #tpu.memory_space<vmem>>
      %dma_start3A_121 = arith.constant 0 : i32
      %dma_start3A_122 = arith.constant 0 : i32
      %dma_start3A_123 = tpu.memref_slice %arg2[%dma_start3A_121, %dma_start3A_122] : memref<1000000x64xf32, #tpu.memory_space<hbm>> -> memref<1000000x64xf32, #tpu.memory_space<hbm>>
      tpu.enqueue_indirect_dma source(%dma_start3A_123 : memref<1000000x64xf32, #tpu.memory_space<hbm>>) target(%dma_start3A_117 : memref<128x64xf32, #tpu.memory_space<vmem>>) offsets(%dma_start3A_120 : memref<128xi32, #tpu.memory_space<vmem>>) semaphore(%arg8 : memref<!tpu.dma_semaphore, #tpu.memory_space<semaphore_mem>>)
      %mul3A_124 = arith.constant 4 : i32
      %mul3A_125 = arith.muli %add3A_78, %mul3A_124 : i32
      %add3A_126 = arith.constant 3 : i32
      %add3A_127 = arith.addi %mul3A_125, %add3A_126 : i32
      %dma_start3A_128 = arith.constant 1 : i32
      %dma_start3A_129 = arith.constant 384 : i32
      %dma_start3A_130 = arith.constant 0 : i32
      %dma_start3A_131 = tpu.memref_slice %arg6[%dma_start3A_128, %dma_start3A_129, %dma_start3A_130] : memref<2x512x64xf32, #tpu.memory_space<vmem>> -> memref<1x128x64xf32, #tpu.memory_space<vmem>>
      %dma_start3A_132 = tpu.memref_squeeze %dma_start3A_131 : memref<1x128x64xf32, #tpu.memory_space<vmem>> -> memref<128x64xf32, #tpu.memory_space<vmem>>
      %dma_start3A_133 = arith.constant 0 : i32
      %dma_start3A_134 = tpu.memref_slice %arg5[%add3A_127, %dma_start3A_133] : memref<200x128xi32, #tpu.memory_space<vmem>> -> memref<1x128xi32, #tpu.memory_space<vmem>>
      %dma_start3A_135 = tpu.memref_squeeze %dma_start3A_134 : memref<1x128xi32, #tpu.memory_space<vmem>> -> memref<128xi32, #tpu.memory_space<vmem>>
      %dma_start3A_136 = arith.constant 0 : i32
      %dma_start3A_137 = arith.constant 0 : i32
      %dma_start3A_138 = tpu.memref_slice %arg2[%dma_start3A_136, %dma_start3A_137] : memref<1000000x64xf32, #tpu.memory_space<hbm>> -> memref<1000000x64xf32, #tpu.memory_space<hbm>>
      tpu.enqueue_indirect_dma source(%dma_start3A_138 : memref<1000000x64xf32, #tpu.memory_space<hbm>>) target(%dma_start3A_132 : memref<128x64xf32, #tpu.memory_space<vmem>>) offsets(%dma_start3A_135 : memref<128xi32, #tpu.memory_space<vmem>>) semaphore(%arg8 : memref<!tpu.dma_semaphore, #tpu.memory_space<semaphore_mem>>)
      %dma_wait3A = arith.constant 0 : i32
      %dma_wait3A_139 = arith.constant 0 : i32
      %dma_wait3A_140 = arith.constant 0 : i32
      %dma_wait3A_141 = tpu.memref_slice %arg6[%dma_wait3A, %dma_wait3A_139, %dma_wait3A_140] : memref<2x512x64xf32, #tpu.memory_space<vmem>> -> memref<1x128x64xf32, #tpu.memory_space<vmem>>
      %dma_wait3A_142 = tpu.memref_squeeze %dma_wait3A_141 : memref<1x128x64xf32, #tpu.memory_space<vmem>> -> memref<128x64xf32, #tpu.memory_space<vmem>>
      %dma_wait3A_143 = arith.constant 0 : i32
      %dma_wait3A_144 = tpu.memref_slice %arg5[%add3A_19, %dma_wait3A_143] : memref<200x128xi32, #tpu.memory_space<vmem>> -> memref<1x128xi32, #tpu.memory_space<vmem>>
      %dma_wait3A_145 = tpu.memref_squeeze %dma_wait3A_144 : memref<1x128xi32, #tpu.memory_space<vmem>> -> memref<128xi32, #tpu.memory_space<vmem>>
      %dma_wait3A_146 = arith.constant 0 : i32
      %dma_wait3A_147 = arith.constant 0 : i32
      %dma_wait3A_148 = tpu.memref_slice %arg2[%dma_wait3A_146, %dma_wait3A_147] : memref<1000000x64xf32, #tpu.memory_space<hbm>> -> memref<1000000x64xf32, #tpu.memory_space<hbm>>
      tpu.wait_indirect_dma semaphore(%arg7 : memref<!tpu.dma_semaphore, #tpu.memory_space<semaphore_mem>>) src(%dma_wait3A_148 : memref<1000000x64xf32, #tpu.memory_space<hbm>>) dst(%dma_wait3A_142 : memref<128x64xf32, #tpu.memory_space<vmem>>)
      %dma_wait3A_149 = arith.constant 0 : i32
      %dma_wait3A_150 = arith.constant 128 : i32
      %dma_wait3A_151 = arith.constant 0 : i32
      %dma_wait3A_152 = tpu.memref_slice %arg6[%dma_wait3A_149, %dma_wait3A_150, %dma_wait3A_151] : memref<2x512x64xf32, #tpu.memory_space<vmem>> -> memref<1x128x64xf32, #tpu.memory_space<vmem>>
      %dma_wait3A_153 = tpu.memref_squeeze %dma_wait3A_152 : memref<1x128x64xf32, #tpu.memory_space<vmem>> -> memref<128x64xf32, #tpu.memory_space<vmem>>
      %dma_wait3A_154 = arith.constant 0 : i32
      %dma_wait3A_155 = tpu.memref_slice %arg5[%add3A_33, %dma_wait3A_154] : memref<200x128xi32, #tpu.memory_space<vmem>> -> memref<1x128xi32, #tpu.memory_space<vmem>>
      %dma_wait3A_156 = tpu.memref_squeeze %dma_wait3A_155 : memref<1x128xi32, #tpu.memory_space<vmem>> -> memref<128xi32, #tpu.memory_space<vmem>>
      %dma_wait3A_157 = arith.constant 0 : i32
      %dma_wait3A_158 = arith.constant 0 : i32
      %dma_wait3A_159 = tpu.memref_slice %arg2[%dma_wait3A_157, %dma_wait3A_158] : memref<1000000x64xf32, #tpu.memory_space<hbm>> -> memref<1000000x64xf32, #tpu.memory_space<hbm>>
      tpu.wait_indirect_dma semaphore(%arg7 : memref<!tpu.dma_semaphore, #tpu.memory_space<semaphore_mem>>) src(%dma_wait3A_159 : memref<1000000x64xf32, #tpu.memory_space<hbm>>) dst(%dma_wait3A_153 : memref<128x64xf32, #tpu.memory_space<vmem>>)
      %dma_wait3A_160 = arith.constant 0 : i32
      %dma_wait3A_161 = arith.constant 256 : i32
      %dma_wait3A_162 = arith.constant 0 : i32
      %dma_wait3A_163 = tpu.memref_slice %arg6[%dma_wait3A_160, %dma_wait3A_161, %dma_wait3A_162] : memref<2x512x64xf32, #tpu.memory_space<vmem>> -> memref<1x128x64xf32, #tpu.memory_space<vmem>>
      %dma_wait3A_164 = tpu.memref_squeeze %dma_wait3A_163 : memref<1x128x64xf32, #tpu.memory_space<vmem>> -> memref<128x64xf32, #tpu.memory_space<vmem>>
      %dma_wait3A_165 = arith.constant 0 : i32
      %dma_wait3A_166 = tpu.memref_slice %arg5[%add3A_48, %dma_wait3A_165] : memref<200x128xi32, #tpu.memory_space<vmem>> -> memref<1x128xi32, #tpu.memory_space<vmem>>
      %dma_wait3A_167 = tpu.memref_squeeze %dma_wait3A_166 : memref<1x128xi32, #tpu.memory_space<vmem>> -> memref<128xi32, #tpu.memory_space<vmem>>
      %dma_wait3A_168 = arith.constant 0 : i32
      %dma_wait3A_169 = arith.constant 0 : i32
      %dma_wait3A_170 = tpu.memref_slice %arg2[%dma_wait3A_168, %dma_wait3A_169] : memref<1000000x64xf32, #tpu.memory_space<hbm>> -> memref<1000000x64xf32, #tpu.memory_space<hbm>>
      tpu.wait_indirect_dma semaphore(%arg7 : memref<!tpu.dma_semaphore, #tpu.memory_space<semaphore_mem>>) src(%dma_wait3A_170 : memref<1000000x64xf32, #tpu.memory_space<hbm>>) dst(%dma_wait3A_164 : memref<128x64xf32, #tpu.memory_space<vmem>>)
      %dma_wait3A_171 = arith.constant 0 : i32
      %dma_wait3A_172 = arith.constant 384 : i32
      %dma_wait3A_173 = arith.constant 0 : i32
      %dma_wait3A_174 = tpu.memref_slice %arg6[%dma_wait3A_171, %dma_wait3A_172, %dma_wait3A_173] : memref<2x512x64xf32, #tpu.memory_space<vmem>> -> memref<1x128x64xf32, #tpu.memory_space<vmem>>
      %dma_wait3A_175 = tpu.memref_squeeze %dma_wait3A_174 : memref<1x128x64xf32, #tpu.memory_space<vmem>> -> memref<128x64xf32, #tpu.memory_space<vmem>>
      %dma_wait3A_176 = arith.constant 0 : i32
      %dma_wait3A_177 = tpu.memref_slice %arg5[%add3A_63, %dma_wait3A_176] : memref<200x128xi32, #tpu.memory_space<vmem>> -> memref<1x128xi32, #tpu.memory_space<vmem>>
      %dma_wait3A_178 = tpu.memref_squeeze %dma_wait3A_177 : memref<1x128xi32, #tpu.memory_space<vmem>> -> memref<128xi32, #tpu.memory_space<vmem>>
      %dma_wait3A_179 = arith.constant 0 : i32
      %dma_wait3A_180 = arith.constant 0 : i32
      %dma_wait3A_181 = tpu.memref_slice %arg2[%dma_wait3A_179, %dma_wait3A_180] : memref<1000000x64xf32, #tpu.memory_space<hbm>> -> memref<1000000x64xf32, #tpu.memory_space<hbm>>
      tpu.wait_indirect_dma semaphore(%arg7 : memref<!tpu.dma_semaphore, #tpu.memory_space<semaphore_mem>>) src(%dma_wait3A_181 : memref<1000000x64xf32, #tpu.memory_space<hbm>>) dst(%dma_wait3A_175 : memref<128x64xf32, #tpu.memory_space<vmem>>)
      %mul3A_182 = arith.constant 2 : i32
      %mul3A_183 = arith.muli %add3A_11, %mul3A_182 : i32
      %add3A_184 = arith.constant 0 : i32
      %add3A_185 = arith.addi %mul3A_183, %add3A_184 : i32
      %mul3A_186 = arith.constant 512 : i32
      %mul3A_187 = arith.muli %add3A_185, %mul3A_186 : i32
      %add3A_188 = arith.addi %mul3A_2, %mul3A_187 : i32
      %run_scoped3A = arith.constant 0 : i32
      "tpu.region"() ({
        %run_scoped3A_241 = tpu.sem_alloc : memref<!tpu.dma_semaphore, #tpu.memory_space<semaphore_mem>>
        %dma_start3A_242 = arith.constant 0 : i32
        %dma_start3A_243 = arith.constant 0 : i32
        %dma_start3A_244 = tpu.memref_slice %arg6[%run_scoped3A, %dma_start3A_242, %dma_start3A_243] : memref<2x512x64xf32, #tpu.memory_space<vmem>> -> memref<1x512x64xf32, #tpu.memory_space<vmem>>
        %dma_start3A_245 = tpu.memref_squeeze %dma_start3A_244 : memref<1x512x64xf32, #tpu.memory_space<vmem>> -> memref<512x64xf32, #tpu.memory_space<vmem>>
        %dma_start3A_246 = arith.constant 0 : i32
        %dma_start3A_247 = tpu.memref_slice %arg4[%add3A_188, %dma_start3A_246] : memref<819200x64xf32, #tpu.memory_space<hbm>> -> memref<512x64xf32, #tpu.memory_space<hbm>>
        %dma_start3A_248 = arith.constant 0 : i32
        %dma_start3A_249 = tpu.memref_slice %arg4[%add3A_188, %dma_start3A_248] : memref<819200x64xf32, #tpu.memory_space<hbm>> -> memref<512x64xf32, #tpu.memory_space<hbm>>
        %dma_start3A_250 = arith.constant 0 : i32
        %dma_start3A_251 = arith.constant 0 : i32
        %dma_start3A_252 = tpu.memref_slice %arg6[%run_scoped3A, %dma_start3A_250, %dma_start3A_251] : memref<2x512x64xf32, #tpu.memory_space<vmem>> -> memref<1x512x64xf32, #tpu.memory_space<vmem>>
        %dma_start3A_253 = tpu.memref_squeeze %dma_start3A_252 : memref<1x512x64xf32, #tpu.memory_space<vmem>> -> memref<512x64xf32, #tpu.memory_space<vmem>>
        tpu.enqueue_dma source(%dma_start3A_253 : memref<512x64xf32, #tpu.memory_space<vmem>>) target(%dma_start3A_249 : memref<512x64xf32, #tpu.memory_space<hbm>>) target_semaphore(%run_scoped3A_241 : memref<!tpu.dma_semaphore, #tpu.memory_space<semaphore_mem>>)
        %dma_wait3A_254 = arith.constant 0 : i32
        %dma_wait3A_255 = arith.constant 0 : i32
        %dma_wait3A_256 = tpu.memref_slice %arg6[%run_scoped3A, %dma_wait3A_254, %dma_wait3A_255] : memref<2x512x64xf32, #tpu.memory_space<vmem>> -> memref<1x512x64xf32, #tpu.memory_space<vmem>>
        %dma_wait3A_257 = tpu.memref_squeeze %dma_wait3A_256 : memref<1x512x64xf32, #tpu.memory_space<vmem>> -> memref<512x64xf32, #tpu.memory_space<vmem>>
        %dma_wait3A_258 = arith.constant 0 : i32
        %dma_wait3A_259 = tpu.memref_slice %arg4[%add3A_188, %dma_wait3A_258] : memref<819200x64xf32, #tpu.memory_space<hbm>> -> memref<512x64xf32, #tpu.memory_space<hbm>>
        %dma_wait3A_260 = arith.constant 0 : i32
        %dma_wait3A_261 = tpu.memref_slice %arg4[%add3A_188, %dma_wait3A_260] : memref<819200x64xf32, #tpu.memory_space<hbm>> -> memref<512x64xf32, #tpu.memory_space<hbm>>
        %dma_wait3A_262 = arith.constant 0 : i32
        %dma_wait3A_263 = arith.constant 0 : i32
        %dma_wait3A_264 = tpu.memref_slice %arg6[%run_scoped3A, %dma_wait3A_262, %dma_wait3A_263] : memref<2x512x64xf32, #tpu.memory_space<vmem>> -> memref<1x512x64xf32, #tpu.memory_space<vmem>>
        %dma_wait3A_265 = tpu.memref_squeeze %dma_wait3A_264 : memref<1x512x64xf32, #tpu.memory_space<vmem>> -> memref<512x64xf32, #tpu.memory_space<vmem>>
        tpu.wait_dma2 semaphore(%run_scoped3A_241 : memref<!tpu.dma_semaphore, #tpu.memory_space<semaphore_mem>>) src(%dma_wait3A_265 : memref<512x64xf32, #tpu.memory_space<vmem>>) dst(%dma_wait3A_261 : memref<512x64xf32, #tpu.memory_space<hbm>>)
        tpu.yield
      }) : () -> ()
      %dma_wait3A_189 = arith.constant 1 : i32
      %dma_wait3A_190 = arith.constant 0 : i32
      %dma_wait3A_191 = arith.constant 0 : i32
      %dma_wait3A_192 = tpu.memref_slice %arg6[%dma_wait3A_189, %dma_wait3A_190, %dma_wait3A_191] : memref<2x512x64xf32, #tpu.memory_space<vmem>> -> memref<1x128x64xf32, #tpu.memory_space<vmem>>
      %dma_wait3A_193 = tpu.memref_squeeze %dma_wait3A_192 : memref<1x128x64xf32, #tpu.memory_space<vmem>> -> memref<128x64xf32, #tpu.memory_space<vmem>>
      %dma_wait3A_194 = arith.constant 0 : i32
      %dma_wait3A_195 = tpu.memref_slice %arg5[%add3A_82, %dma_wait3A_194] : memref<200x128xi32, #tpu.memory_space<vmem>> -> memref<1x128xi32, #tpu.memory_space<vmem>>
      %dma_wait3A_196 = tpu.memref_squeeze %dma_wait3A_195 : memref<1x128xi32, #tpu.memory_space<vmem>> -> memref<128xi32, #tpu.memory_space<vmem>>
      %dma_wait3A_197 = arith.constant 0 : i32
      %dma_wait3A_198 = arith.constant 0 : i32
      %dma_wait3A_199 = tpu.memref_slice %arg2[%dma_wait3A_197, %dma_wait3A_198] : memref<1000000x64xf32, #tpu.memory_space<hbm>> -> memref<1000000x64xf32, #tpu.memory_space<hbm>>
      tpu.wait_indirect_dma semaphore(%arg8 : memref<!tpu.dma_semaphore, #tpu.memory_space<semaphore_mem>>) src(%dma_wait3A_199 : memref<1000000x64xf32, #tpu.memory_space<hbm>>) dst(%dma_wait3A_193 : memref<128x64xf32, #tpu.memory_space<vmem>>)
      %dma_wait3A_200 = arith.constant 1 : i32
      %dma_wait3A_201 = arith.constant 128 : i32
      %dma_wait3A_202 = arith.constant 0 : i32
      %dma_wait3A_203 = tpu.memref_slice %arg6[%dma_wait3A_200, %dma_wait3A_201, %dma_wait3A_202] : memref<2x512x64xf32, #tpu.memory_space<vmem>> -> memref<1x128x64xf32, #tpu.memory_space<vmem>>
      %dma_wait3A_204 = tpu.memref_squeeze %dma_wait3A_203 : memref<1x128x64xf32, #tpu.memory_space<vmem>> -> memref<128x64xf32, #tpu.memory_space<vmem>>
      %dma_wait3A_205 = arith.constant 0 : i32
      %dma_wait3A_206 = tpu.memref_slice %arg5[%add3A_97, %dma_wait3A_205] : memref<200x128xi32, #tpu.memory_space<vmem>> -> memref<1x128xi32, #tpu.memory_space<vmem>>
      %dma_wait3A_207 = tpu.memref_squeeze %dma_wait3A_206 : memref<1x128xi32, #tpu.memory_space<vmem>> -> memref<128xi32, #tpu.memory_space<vmem>>
      %dma_wait3A_208 = arith.constant 0 : i32
      %dma_wait3A_209 = arith.constant 0 : i32
      %dma_wait3A_210 = tpu.memref_slice %arg2[%dma_wait3A_208, %dma_wait3A_209] : memref<1000000x64xf32, #tpu.memory_space<hbm>> -> memref<1000000x64xf32, #tpu.memory_space<hbm>>
      tpu.wait_indirect_dma semaphore(%arg8 : memref<!tpu.dma_semaphore, #tpu.memory_space<semaphore_mem>>) src(%dma_wait3A_210 : memref<1000000x64xf32, #tpu.memory_space<hbm>>) dst(%dma_wait3A_204 : memref<128x64xf32, #tpu.memory_space<vmem>>)
      %dma_wait3A_211 = arith.constant 1 : i32
      %dma_wait3A_212 = arith.constant 256 : i32
      %dma_wait3A_213 = arith.constant 0 : i32
      %dma_wait3A_214 = tpu.memref_slice %arg6[%dma_wait3A_211, %dma_wait3A_212, %dma_wait3A_213] : memref<2x512x64xf32, #tpu.memory_space<vmem>> -> memref<1x128x64xf32, #tpu.memory_space<vmem>>
      %dma_wait3A_215 = tpu.memref_squeeze %dma_wait3A_214 : memref<1x128x64xf32, #tpu.memory_space<vmem>> -> memref<128x64xf32, #tpu.memory_space<vmem>>
      %dma_wait3A_216 = arith.constant 0 : i32
      %dma_wait3A_217 = tpu.memref_slice %arg5[%add3A_112, %dma_wait3A_216] : memref<200x128xi32, #tpu.memory_space<vmem>> -> memref<1x128xi32, #tpu.memory_space<vmem>>
      %dma_wait3A_218 = tpu.memref_squeeze %dma_wait3A_217 : memref<1x128xi32, #tpu.memory_space<vmem>> -> memref<128xi32, #tpu.memory_space<vmem>>
      %dma_wait3A_219 = arith.constant 0 : i32
      %dma_wait3A_220 = arith.constant 0 : i32
      %dma_wait3A_221 = tpu.memref_slice %arg2[%dma_wait3A_219, %dma_wait3A_220] : memref<1000000x64xf32, #tpu.memory_space<hbm>> -> memref<1000000x64xf32, #tpu.memory_space<hbm>>
      tpu.wait_indirect_dma semaphore(%arg8 : memref<!tpu.dma_semaphore, #tpu.memory_space<semaphore_mem>>) src(%dma_wait3A_221 : memref<1000000x64xf32, #tpu.memory_space<hbm>>) dst(%dma_wait3A_215 : memref<128x64xf32, #tpu.memory_space<vmem>>)
      %dma_wait3A_222 = arith.constant 1 : i32
      %dma_wait3A_223 = arith.constant 384 : i32
      %dma_wait3A_224 = arith.constant 0 : i32
      %dma_wait3A_225 = tpu.memref_slice %arg6[%dma_wait3A_222, %dma_wait3A_223, %dma_wait3A_224] : memref<2x512x64xf32, #tpu.memory_space<vmem>> -> memref<1x128x64xf32, #tpu.memory_space<vmem>>
      %dma_wait3A_226 = tpu.memref_squeeze %dma_wait3A_225 : memref<1x128x64xf32, #tpu.memory_space<vmem>> -> memref<128x64xf32, #tpu.memory_space<vmem>>
      %dma_wait3A_227 = arith.constant 0 : i32
      %dma_wait3A_228 = tpu.memref_slice %arg5[%add3A_127, %dma_wait3A_227] : memref<200x128xi32, #tpu.memory_space<vmem>> -> memref<1x128xi32, #tpu.memory_space<vmem>>
      %dma_wait3A_229 = tpu.memref_squeeze %dma_wait3A_228 : memref<1x128xi32, #tpu.memory_space<vmem>> -> memref<128xi32, #tpu.memory_space<vmem>>
      %dma_wait3A_230 = arith.constant 0 : i32
      %dma_wait3A_231 = arith.constant 0 : i32
      %dma_wait3A_232 = tpu.memref_slice %arg2[%dma_wait3A_230, %dma_wait3A_231] : memref<1000000x64xf32, #tpu.memory_space<hbm>> -> memref<1000000x64xf32, #tpu.memory_space<hbm>>
      tpu.wait_indirect_dma semaphore(%arg8 : memref<!tpu.dma_semaphore, #tpu.memory_space<semaphore_mem>>) src(%dma_wait3A_232 : memref<1000000x64xf32, #tpu.memory_space<hbm>>) dst(%dma_wait3A_226 : memref<128x64xf32, #tpu.memory_space<vmem>>)
      %mul3A_233 = arith.constant 2 : i32
      %mul3A_234 = arith.muli %add3A_11, %mul3A_233 : i32
      %add3A_235 = arith.constant 1 : i32
      %add3A_236 = arith.addi %mul3A_234, %add3A_235 : i32
      %mul3A_237 = arith.constant 512 : i32
      %mul3A_238 = arith.muli %add3A_236, %mul3A_237 : i32
      %add3A_239 = arith.addi %mul3A_2, %mul3A_238 : i32
      %run_scoped3A_240 = arith.constant 1 : i32
      "tpu.region"() ({
        %run_scoped3A_241 = tpu.sem_alloc : memref<!tpu.dma_semaphore, #tpu.memory_space<semaphore_mem>>
        %dma_start3A_242 = arith.constant 0 : i32
        %dma_start3A_243 = arith.constant 0 : i32
        %dma_start3A_244 = tpu.memref_slice %arg6[%run_scoped3A_240, %dma_start3A_242, %dma_start3A_243] : memref<2x512x64xf32, #tpu.memory_space<vmem>> -> memref<1x512x64xf32, #tpu.memory_space<vmem>>
        %dma_start3A_245 = tpu.memref_squeeze %dma_start3A_244 : memref<1x512x64xf32, #tpu.memory_space<vmem>> -> memref<512x64xf32, #tpu.memory_space<vmem>>
        %dma_start3A_246 = arith.constant 0 : i32
        %dma_start3A_247 = tpu.memref_slice %arg4[%add3A_239, %dma_start3A_246] : memref<819200x64xf32, #tpu.memory_space<hbm>> -> memref<512x64xf32, #tpu.memory_space<hbm>>
        %dma_start3A_248 = arith.constant 0 : i32
        %dma_start3A_249 = tpu.memref_slice %arg4[%add3A_239, %dma_start3A_248] : memref<819200x64xf32, #tpu.memory_space<hbm>> -> memref<512x64xf32, #tpu.memory_space<hbm>>
        %dma_start3A_250 = arith.constant 0 : i32
        %dma_start3A_251 = arith.constant 0 : i32
        %dma_start3A_252 = tpu.memref_slice %arg6[%run_scoped3A_240, %dma_start3A_250, %dma_start3A_251] : memref<2x512x64xf32, #tpu.memory_space<vmem>> -> memref<1x512x64xf32, #tpu.memory_space<vmem>>
        %dma_start3A_253 = tpu.memref_squeeze %dma_start3A_252 : memref<1x512x64xf32, #tpu.memory_space<vmem>> -> memref<512x64xf32, #tpu.memory_space<vmem>>
        tpu.enqueue_dma source(%dma_start3A_253 : memref<512x64xf32, #tpu.memory_space<vmem>>) target(%dma_start3A_249 : memref<512x64xf32, #tpu.memory_space<hbm>>) target_semaphore(%run_scoped3A_241 : memref<!tpu.dma_semaphore, #tpu.memory_space<semaphore_mem>>)
        %dma_wait3A_254 = arith.constant 0 : i32
        %dma_wait3A_255 = arith.constant 0 : i32
        %dma_wait3A_256 = tpu.memref_slice %arg6[%run_scoped3A_240, %dma_wait3A_254, %dma_wait3A_255] : memref<2x512x64xf32, #tpu.memory_space<vmem>> -> memref<1x512x64xf32, #tpu.memory_space<vmem>>
        %dma_wait3A_257 = tpu.memref_squeeze %dma_wait3A_256 : memref<1x512x64xf32, #tpu.memory_space<vmem>> -> memref<512x64xf32, #tpu.memory_space<vmem>>
        %dma_wait3A_258 = arith.constant 0 : i32
        %dma_wait3A_259 = tpu.memref_slice %arg4[%add3A_239, %dma_wait3A_258] : memref<819200x64xf32, #tpu.memory_space<hbm>> -> memref<512x64xf32, #tpu.memory_space<hbm>>
        %dma_wait3A_260 = arith.constant 0 : i32
        %dma_wait3A_261 = tpu.memref_slice %arg4[%add3A_239, %dma_wait3A_260] : memref<819200x64xf32, #tpu.memory_space<hbm>> -> memref<512x64xf32, #tpu.memory_space<hbm>>
        %dma_wait3A_262 = arith.constant 0 : i32
        %dma_wait3A_263 = arith.constant 0 : i32
        %dma_wait3A_264 = tpu.memref_slice %arg6[%run_scoped3A_240, %dma_wait3A_262, %dma_wait3A_263] : memref<2x512x64xf32, #tpu.memory_space<vmem>> -> memref<1x512x64xf32, #tpu.memory_space<vmem>>
        %dma_wait3A_265 = tpu.memref_squeeze %dma_wait3A_264 : memref<1x512x64xf32, #tpu.memory_space<vmem>> -> memref<512x64xf32, #tpu.memory_space<vmem>>
        tpu.wait_dma2 semaphore(%run_scoped3A_241 : memref<!tpu.dma_semaphore, #tpu.memory_space<semaphore_mem>>) src(%dma_wait3A_265 : memref<512x64xf32, #tpu.memory_space<vmem>>) dst(%dma_wait3A_261 : memref<512x64xf32, #tpu.memory_space<hbm>>)
        tpu.yield
      }) : () -> ()
    }
    %scan3A_6 = arith.constant 25 : i32
    return
  }
}

module attributes {stable_mosaic.version = 14 : i64} {
  func.func @_proj_body(%arg0: i32, %arg1: memref<2000x256xf32, #tpu.memory_space<vmem>>, %arg2: memref<256x256xf32, #tpu.memory_space<vmem>>, %arg3: memref<8x256xf32, #tpu.memory_space<vmem>>, %arg4: memref<2000x256xf32, #tpu.memory_space<vmem>>) attributes {dimension_semantics = [#tpu.dimension_semantics<arbitrary>], iteration_bounds = array<i64: 125>, scalar_prefetch = 0 : i64, scratch_operands = 0 : i64, tpu.core_type = #tpu.core_type<tc>, window_params = [{transform_indices = @transform_0, window_bounds = array<i64: 2000, 256>}, {pipeline_mode = #tpu.pipeline_mode<synchronous>, transform_indices = @transform_1, window_bounds = array<i64: 256, 256>}, {pipeline_mode = #tpu.pipeline_mode<synchronous>, transform_indices = @transform_2, window_bounds = array<i64: 8, 256>}, {transform_indices = @transform_3, window_bounds = array<i64: 2000, 256>}]} {
    %get3A = arith.constant 0 : index
    %get3A_0 = arith.constant 0 : index
    %get3A_1 = vector.load %arg1[%get3A, %get3A_0] : memref<2000x256xf32, #tpu.memory_space<vmem>>, vector<2000x256xf32>
    %get3A_2 = arith.constant 0 : index
    %get3A_3 = arith.constant 0 : index
    %get3A_4 = vector.load %arg2[%get3A_2, %get3A_3] : memref<256x256xf32, #tpu.memory_space<vmem>>, vector<256x256xf32>
    %dot_general3A = arith.constant dense<0.000000e+00> : vector<2000x256xf32>
    %dot_general3A_5 = tpu.matmul %get3A_1, %get3A_4, %dot_general3A {dimension_numbers = #tpu.dot_dimension_numbers<[1], [0], [0], [1], [0, 0, 1, 1], [], []>, transpose_lhs_hint = false} : vector<2000x256xf32>, vector<256x256xf32>, vector<2000x256xf32> -> vector<2000x256xf32>
    %get3A_6 = arith.constant 0 : index
    %get3A_7 = arith.constant 0 : index
    %get3A_8 = vector.load %arg3[%get3A_6, %get3A_7] : memref<8x256xf32, #tpu.memory_space<vmem>>, vector<1x256xf32>
    %add3A = vector.broadcast %get3A_8 : vector<1x256xf32> to vector<2000x256xf32>
    %add3A_9 = arith.addf %dot_general3A_5, %add3A : vector<2000x256xf32>
    %swap3A = arith.constant 0 : index
    %swap3A_10 = arith.constant 0 : index
    %swap3A_11 = vector.load %arg4[%swap3A, %swap3A_10] : memref<2000x256xf32, #tpu.memory_space<vmem>>, vector<2000x256xf32>
    tpu.vector_store %arg4[%swap3A, %swap3A_10], %add3A_9 {strides = array<i32>} : memref<2000x256xf32, #tpu.memory_space<vmem>>, vector<2000x256xf32>,
    return
  }
  func.func @transform_0(%arg0: i32) -> (i32, i32) {
    %c0_i32 = arith.constant 0 : i32
    %c0_i32_0 = arith.constant 0 : i32
    return %arg0, %c0_i32 : i32, i32
  }
  func.func @transform_1(%arg0: i32) -> (i32, i32) {
    %c0_i32 = arith.constant 0 : i32
    %c0_i32_0 = arith.constant 0 : i32
    %c0_i32_1 = arith.constant 0 : i32
    return %c0_i32, %c0_i32_0 : i32, i32
  }
  func.func @transform_2(%arg0: i32) -> (i32, i32) {
    %c0_i32 = arith.constant 0 : i32
    %c0_i32_0 = arith.constant 0 : i32
    %c0_i32_1 = arith.constant 0 : i32
    return %c0_i32, %c0_i32_0 : i32, i32
  }
  func.func @transform_3(%arg0: i32) -> (i32, i32) {
    %c0_i32 = arith.constant 0 : i32
    %c0_i32_0 = arith.constant 0 : i32
    return %arg0, %c0_i32 : i32, i32
  }
}

</mosaic_0001>

<sc_bundles>
// kernel: kernel.4.cloned.1.call-start
scs
__scs_entry_jumppad:
0x0: {  	(pc) =	sbr.rel $0x88, $3  }
0x1: {  	(tag) =	ssettag $0x0;
	lr =	simm.s32 $0x1  }
0x2: {  	[smem:$0x3F9D] =	sst lr;
	_ =	strace $0xD0000000  }
0x3: {  	_ = 	snop  }
0x4: {  	_ = 	snop  }
0x5: {  	_ = 	snop  }
0x6: {  	_ = 	snop  }
0x7: {  	_ = 	snop  }
__scs_overlays_trampoline_lowered:
0x8: {  	[smem:$0x3FAC] =	sst s0  }
0x9: {  	[smem:$0x3FAD] =	sst s1  }
0xa: {  	[smem:$0x3FAE] =	sst s2  }
0xb: {  	[smem:$0x3FAF] =	sst s3  }
0xc: {  	[smem:$0x3FB0] =	sst s4  }
0xd: {  	[smem:$0x3FB1] =	sst s5  }
0xe: {  	[smem:$0x3FB2] =	sst s6  }
0xf: {  	[smem:$0x3FB3] =	sst s7  }
0x10: {  	[smem:$0x3FB4] =	sst s8  }
0x11: {  	[smem:$0x3FB5] =	sst s9;
	s0 =	simm.s32 @!p0 $0x0  }
0x12: {  	s1 =	sld [smem:$0x3F9B];
	s0 =	simm.s32 @p0 $0x1  }
0x13: {  	[smem:$0x3FB6] =	sst s0;
	s0 =	simm.s32 @!p1 $0x0  }
0x14: {  	s2 =	sld [smem:$0x3F9A];
	s0 =	simm.s32 @p1 $0x1  }
0x15: {  	[smem:$0x3FB7] =	sst s0;
	s0 =	simm.s32 @!p2 $0x0  }
0x16: {  	s3 =	sld [smem:$0x3FDB];
	s0 =	simm.s32 @p2 $0x1  }
0x17: {  	s4 =	simm.s32 $0x1BF5;
	[smem:$0x3FB9] =	sst s0  }
0x18: {  	s0 =	sld [smem:$0x3F9C];
	_ =	swait.ge [sflag:s4], $0x0  }
0x19: {  	s7 =	sld [smem:$0x3F9D]  }
0x1a: {  	s8 =	sadd.s32 $0xFFFFE003, lr  }
0x1b: {  	s9 =	sadd.s32 $0xFFFFFEF7, lr;
	s5 =	simm.s32 $0xFFFFFFFF;
	p2 =	slt.u32 s8, $0xFFFFF086  }
0x1c: {  	p1 =	slt.u32 s9, $0xF7A;
	s5 =	simm.s32 @!p2 $0x0  }
0x1d: {  	s5 =	simm.s32 @p1 $0x1;
	p0 =	seq.s32 s7, s2  }
0x1e: {  	s7 =	smul.u32 @!p0 $0xF7A, s2;
	p2 =	seq.s32 @!p0 s5, $0x0  }
0x1f: {  	s9 =	smul.u32 $0xF7A, s1;
	s8 =	simm.s32 @!p0 $0x1BF5;
	p2 =	por !p2, p0  }
0x20: {  	[sflag:s8] =	ssyncset.s32 @!p0 $0xFFFFF086;
	s6 =	sadd.s32 @!p0 s3, s7;
	s7 =	simm.s32 @!p0 $0x108  }
0x21: {  	s3 =	sadd.s32 s3, s9;
	s6 =	sadd.s32 @!p0 $0x88, s6;
	s7 =	simm.s32 @p2 $0x1082  }
0x22: {  	[simem:s7], [sflag:s8] =	dma.local @!p0 [hbm:s6], $0xF7A  }
0x23: {  	s9 =	sor.u32 $0xD0000000, s2;
	s6 =	simm.s32 $0x108;
	_ =	swait.ge @!p0 [sflag:s8], $0x0  }
0x24: {  	s3 =	sadd.s32 $0x88, s3;
	s6 =	simm.s32 @!p1 $0x1082;
	[sflag:s4] =	ssyncset.s32 $0xFFFFF086  }
0x25: {  	[simem:s6], [sflag:s4] =	dma.local [hbm:s3], $0xF7A  }
0x26: {  	[smem:$0x3F9D] =	sst s1;
	(tag) =	ssettag s2;
	_ =	strace s9  }
0x27: {  	s1 =	sld [smem:$0x3FAD]  }
0x28: {  	s2 =	sld [smem:$0x3FAE]  }
0x29: {  	s4 =	sld [smem:$0x3FB0]  }
0x2a: {  	p0 =	seq.s32 s5, $0x0;
	s5 =	sld [smem:$0x3FB1]  }
0x2b: {  	s6 =	sld [smem:$0x3FB2]  }
0x2c: {  	s7 =	sld [smem:$0x3FB3]  }
0x2d: {  	s3 =	simm.s32 $0x108;
	s8 =	sld [smem:$0x3FB4]  }
0x2e: {  	s3 =	simm.s32 @!p0 $0x1082;
	s9 =	sld [smem:$0x3FB5]  }
0x2f: {  	lr =	sadd.s32 s0, s3;
	s0 =	sld [smem:$0x3FAC]  }
0x30: {  	s3 =	sld [smem:$0x3FAF]  }
0x31: {  	[smem:$0x3FB8] =	sst s10  }
0x32: {  	s10 =	sld [smem:$0x3FB6];
	_ =	sdelay $0x3  }
0x33: {  	p0 =	seq.s32 s10, $0x1;
	s10 =	sld [smem:$0x3FB8];
	_ =	sdelay $0x3  }
0x34: {  	[smem:$0x3FB8] =	sst s10  }
0x35: {  	s10 =	sld [smem:$0x3FB7];
	_ =	sdelay $0x3  }
0x36: {  	p1 =	seq.s32 s10, $0x1;
	s10 =	sld [smem:$0x3FB8];
	_ =	sdelay $0x3  }
0x37: {  	[smem:$0x3FB8] =	sst s10  }
0x38: {  	s10 =	sld [smem:$0x3FB9]  }
0x39: {  	_ = 	snop;
	(pc) =	sbr.ind lr, $3  }
0x3a: {  	_ = 	snop  }
0x3b: {  	_ = 	snop  }
0x3c: {  	p2 =	seq.s32 s10, $0x1;
	s10 =	sld [smem:$0x3FB8]  }
0x3d: {  	_ =	shalt  }
0x3e: {  	_ =	shalt  }
0x3f: {  	_ =	shalt  }
0x40: {  	_ =	shalt  }
0x41: {  	_ =	shalt  }
0x42: {  	_ =	shalt  }
0x43: {  	_ =	shalt  }
0x44: {  	_ =	shalt  }
0x45: {  	_ =	shalt  }
0x46: {  	_ =	shalt  }
0x47: {  	_ =	shalt  }
0x48: {  	_ =	shalt  }
0x49: {  	_ =	shalt  }
0x4a: {  	_ =	shalt  }
0x4b: {  	_ =	shalt  }
0x4c: {  	_ =	shalt  }
0x4d: {  	_ =	shalt  }
0x4e: {  	_ =	shalt  }
0x4f: {  	_ =	shalt  }
0x50: {  	_ =	shalt  }
0x51: {  	_ =	shalt  }
0x52: {  	_ =	shalt  }
0x53: {  	_ =	shalt  }
0x54: {  	_ =	shalt  }
0x55: {  	_ =	shalt  }
0x56: {  	_ =	shalt  }
0x57: {  	_ =	shalt  }
0x58: {  	_ =	shalt  }
0x59: {  	_ =	shalt  }
0x5a: {  	_ =	shalt  }
0x5b: {  	_ =	shalt  }
0x5c: {  	_ =	shalt  }
0x5d: {  	_ =	shalt  }
0x5e: {  	_ =	shalt  }
0x5f: {  	_ =	shalt  }
0x60: {  	_ =	shalt  }
0x61: {  	_ =	shalt  }
0x62: {  	_ =	shalt  }
0x63: {  	_ =	shalt  }
0x64: {  	_ =	shalt  }
0x65: {  	_ =	shalt  }
0x66: {  	_ =	shalt  }
0x67: {  	_ =	shalt  }
0x68: {  	_ =	shalt  }
0x69: {  	_ =	shalt  }
0x6a: {  	_ =	shalt  }
0x6b: {  	_ =	shalt  }
0x6c: {  	_ =	shalt  }
0x6d: {  	_ =	shalt  }
0x6e: {  	_ =	shalt  }
0x6f: {  	_ =	shalt  }
0x70: {  	_ =	shalt  }
0x71: {  	_ =	shalt  }
0x72: {  	_ =	shalt  }
0x73: {  	_ =	shalt  }
0x74: {  	_ =	shalt  }
0x75: {  	_ =	shalt  }
0x76: {  	_ =	shalt  }
0x77: {  	_ =	shalt  }
0x78: {  	_ =	shalt  }
0x79: {  	_ =	shalt  }
0x7a: {  	_ =	shalt  }
0x7b: {  	_ =	shalt  }
0x7c: {  	_ =	shalt  }
0x7d: {  	_ =	shalt  }
0x7e: {  	_ =	shalt  }
0x7f: {  	_ =	shalt  }
0x80: {  	_ =	shalt  }
0x81: {  	_ =	shalt  }
0x82: {  	_ =	shalt  }
0x83: {  	_ =	shalt  }
0x84: {  	_ =	shalt  }
0x85: {  	_ =	shalt  }
0x86: {  	_ =	shalt  }
0x87: {  	_ =	shalt  }
.Lfunc_end0:
.L_simem_size_0:
called_computation.2_lowered:
.L_overlay_start_0:
0x88: {  	s2 =	sld [smem:$0x3FD9]  }
0x89: {  	s3 =	sld [smem:$0x3FFE];
	_ =	sdelay $0x1  }
0x8a: {  	s1 =	srdreg.scid  }
0x8b: {  	s0 =	sand.u32 $0x1, s1  }
0x8c: {  	s17 =	sshll.u32 s0, $0xA;
	s2 =	sadd.s32 s3, s2  }
0x8d: {  	s2 =	sadd.s32 s2, s17  }
0x8e: {  	[smem:$0x3FC4] =	sst s2  }
0x8f: {  	_ = 	snop  }
0x90: {  	s2 =	sld [smem:$0x3FD0];
	(tm) =	ssettm $0x1  }
0x91: {  	s18 =	sld [smem:$0x3FFB];
	_ =	sdelay $0x3  }
0x92: {  	_ =	strace s18  }
0x93: {  	s3 =	sld [smem:$0x3FFC];
	_ =	sdelay $0x3  }
0x94: {  	_ =	strace s3  }
0x95: {  	s3 =	sld [smem:$0x3FFD];
	_ =	sdelay $0x3  }
0x96: {  	_ =	strace s3  }
0x97: {  	_ =	strace $0x8FFFFFFF  }
0x98: {  	s19 =	sld [smem:$0x3FDB];
	_ =	sdelay $0x1  }
0x99: {  	s4 =	simm.s32 $_scs_section_size  }
0x9a: {  	s5 =	simm.s32 $_size__tile_overlayer_lowered;
	s6 =	simm.s32 $_tile_overlayer_lowered  }
0x9b: {  	s22 =	simm.s32 $0x1BFF;
	s21 =	sshll.u32 s6, $0x1;
	s3 =	sadd.s32 s4, s19  }
0x9c: {  	s7 =	simm.s32 $0x0;
	s20 =	sshll.u32 s5, $0x1;
	s5 =	sadd.s32 s21, s3  }
0x9d: {  	[timem:s7], [sflag:s22] =	dma.local [hbm:s5], s20  }
0x9e: {  	_ =	swait.ge [sflag:s22], s20  }
0x9f: {  	s4 =	ssub.s32 $0x0, s20;
	[sflag:s22] =	ssyncset.done $0x0  }
0xa0: {  	[sflag:s22] =	ssyncadd.s32 s4;
	_ =	sdelay $0x1  }
0xa1: {  	s23 =	simm.s32 $0x1B8B  }
0xa2: {  	_ =	swait.ge [sflag:s23], $0x1  }
0xa3: {  	[sflag:s23] =	ssyncset.done $0x0  }
0xa4: {  	s25 =	simm.s32 $0x1B8E;
	s24 =	sld [smem:$0x3FFE];
	[sflag:s23] =	ssyncadd.s32 $0xFFFFFFFF  }
0xa5: {  	s26 =	simm.s32 $execute0_lowered;
	[smem:$0x3FD2] =	sst s25  }
0xa6: {  	s5 =	sshll.u32 s26, $0x1;
	_ =	strace $0x80000049;
	[dreg:$0x1] =	wrdreg $0xFFFFFFFF  }
0xa7: {  	s28 =	simm.s32 $_size_execute0_lowered;
	s3 =	sadd.s32 s3, s5;
	[dreg:$0x0] =	wrdreg $0x0  }
0xa8: {  	s5 =	sshll.u32 s28, $0x1;
	[dreg:$0x2] =	wrdreg s3  }
0xa9: {  	[dreg:$0x3] =	wrdreg s5  }
0xaa: {  	[dreg:$0x4] =	wrdreg $0xC0  }
0xab: {  	_ =	task [dreg:s7], $0x5FFFF  }
0xac: {  	[dreg:$0x1] =	wrdreg $0xFFFFFFFF  }
0xad: {  	[dreg:$0x0] =	wrdreg $0x60  }
0xae: {  	[dreg:$0x2] =	wrdreg s24  }
0xaf: {  	[dreg:$0x3] =	wrdreg s2  }
0xb0: {  	[dreg:$0x4] =	wrdreg $0x9  }
0xb1: {  	_ =	task.clear_ibuf [dreg:s7], $0x5FFFF;
	_ =	strace $0x90000049  }
0xb2: {  	s29 =	simm.s32 $0x9;
	_ =	strace $0x8000004B  }
0xb3: {  	_ =	swait.ge [sflag:s29], $0x1  }
0xb4: {  	[sflag:s29] =	ssyncadd.s32 $0xFFFFFFFF  }
0xb5: {  	_ =	strace $0x9000004B  }
0xb6: {  	_ =	sfence  }
0xb7: {  	s30 =	sld [smem:$0x0];
	_ =	sdelay $0x2  }
0xb8: {  	s31 =	sshll.u32 s1, $0xD;
	s1 =	sshrl.u32 s1, $0x2  }
0xb9: {  	s3 =	sand.u32 $0x4000, s31;
	s1 =	sadd.s32 s1, s30  }
0xba: {  	s0 =	sor.u32 s3, s0;
	s1 =	sshll.u32 s1, $0x11  }
0xbb: {  	s0 =	sor.u32 s1, s0  }
0xbc: {  	s0 =	sadd.s32 $0x8F2B, s0  }
0xbd: {  	[sflag:s0] =	ssyncadd.remote.s32 $0x1  }
0xbe: {  	_ =	sfence.sel $0xFFFF  }
0xbf: {  	[dreg:$0x0] =	wrdreg $0xFFFFFFFF;
	(pc) =	sbr.abs _section_cstart, $3  }
0xc0: {  	[dreg:$0x1] =	wrdreg $0xFFFFFFFF  }
0xc1: {  	_ =	task.clear_ibuf [dreg:s7], $0x2FFFF;
	_ =	strace $0x9FFFFFFF  }
0xc2: {  	(tm) =	ssettm $0x7FFFFFFF  }
0xc3: {  	_ =	shalt  }
tec
execute0_lowered:
.L_overlay_start_1:
0x0: {  	(tag) =	ssettag $0x1  }
0x1: {  	s1 =	srdreg.scid;
	s5 =	rddreg [dreg:$0x0]  }
0x2: {  	s0 =	stileid.u32;
	s7 =	rddreg [dreg:$0x1]  }
0x3: {  	s2 =	simm.s32 $0x0;
	s10 =	simm.s32 $0x6400;
	s11 =	simm.s32 $0x8400  }
0x4: {  	s12 =	simm.s32 $0xA400;
	s13 =	simm.s32 $0xC400;
	s14 =	simm.s32 $0xE400  }
0x5: {  	s15 =	simm.s32 $0x10400;
	s16 =	simm.s32 $0x12400;
	s17 =	simm.s32 $0x14400  }
0x6: {  	s18 =	simm.s32 $0x1;
	s19 =	simm.s32 $0x2;
	s20 =	simm.s32 $0x0  }
0x7: {  	s4 =	sand.u32 $0x1, s1;
	s28 =	sshll.u32 s0, $0x1;
	s8 =	smul.u32 $0x320000, s0  }
0x8: {  	[smem:$0x7FF] =	sst s2;
	s1 =	sor.u32 s4, s28;
	s9 =	smul.u32 $0x190000, s4  }
0x9: {  	s3 =	sadd.s32 $0x7A2600, s5;
	s4 =	ssub.s32 $0x2, s4;
	s6 =	smul.u32 $0xC80, s1  }
0xa: {  	s1 =	rddreg [dreg:$0x2];
	_ =	strace $0x8000004A;
	s29 =	sshrl.u32 s4, $0x1  }
0xb: {  	s8 =	sadd.s32 s9, s8;
	s5 =	sadd.s32 s6, s5;
	s6 =	ssub.s32 s4, s29  }
0xc: {  	s9 =	sor.u32 $0x8000, s8;
	s30 =	sshrl.u32 s8, $0x3;
	s8 =	simm.s32 $0x3  }
0xd: {  	s4 =	sadd.s32 $0xF43800, s5;
	s5 =	smax.u32 s6, $0x1;
	s31 =	sshrl.u32 s9, $0x3  }
0xe: {  	s6 =	sadd.s32 s30, s7;
	s9 =	simm.s32 $0x80;
	s7 =	sadd.s32 s31, s7  }
.LBB2_1:
0xf: {  	[tilespmem:s2], [sflag:$0x3] =	stream.linear.gather [hbm4b:s4+s2], $0x6400, $0x38;
	[tilespmem:$0x16400] =	vst v63  }
0x10: {  	_ =	swait.ge [sflag:s8], $0x6400  }
0x11: {  	[sflag:s8] =	ssyncset.done $0x0  }
0x12: {  	s21 =	simm.s32 $0x0;
	[sflag:s8] =	ssyncadd.s32 $0xFFFF9C00  }
0x13: {  	[tilespmem:s10], [sflag:$0x1] =	stream.indirect.gather [hbm4b:s3+s9], $0x40, s21, s9, $0xb8;
	[tilespmem:$0x16400] =	vst v63  }
0x14: {  	s24 =	simm.s32 $0x80  }
0x15: {  	[tilespmem:s11], [sflag:$0x1] =	stream.indirect.gather [hbm4b:s3+s9], $0x40, s24, s9, $0xb8;
	[tilespmem:$0x16400] =	vst v63  }
0x16: {  	s25 =	simm.s32 $0x100  }
0x17: {  	[tilespmem:s12], [sflag:$0x1] =	stream.indirect.gather [hbm4b:s3+s9], $0x40, s25, s9, $0xb8;
	[tilespmem:$0x16400] =	vst v63  }
0x18: {  	s26 =	simm.s32 $0x180  }
0x19: {  	[tilespmem:s13], [sflag:$0x1] =	stream.indirect.gather [hbm4b:s3+s9], $0x40, s26, s9, $0xb8;
	[tilespmem:$0x16400] =	vst v63  }
0x1a: {  	s28 =	simm.s32 $0x200  }
0x1b: {  	[tilespmem:s14], [sflag:$0x2] =	stream.indirect.gather [hbm4b:s3+s9], $0x40, s28, s9, $0xb8;
	[tilespmem:$0x16400] =	vst v63  }
0x1c: {  	s29 =	simm.s32 $0x280  }
0x1d: {  	[tilespmem:s15], [sflag:$0x2] =	stream.indirect.gather [hbm4b:s3+s9], $0x40, s29, s9, $0xb8;
	[tilespmem:$0x16400] =	vst v63  }
0x1e: {  	s30 =	simm.s32 $0x300  }
0x1f: {  	[tilespmem:s16], [sflag:$0x2] =	stream.indirect.gather [hbm4b:s3+s9], $0x40, s30, s9, $0xb8;
	[tilespmem:$0x16400] =	vst v63  }
0x20: {  	s31 =	simm.s32 $0x380  }
0x21: {  	[tilespmem:s17], [sflag:$0x2] =	stream.indirect.gather [hbm4b:s3+s9], $0x40, s31, s9, $0xb8;
	[tilespmem:$0x16400] =	vst v63  }
0x22: {  	_ =	swait.ge [sflag:s18], $0x2000  }
0x23: {  	[sflag:s18] =	ssyncset.done $0x0  }
0x24: {  	[sflag:s18] =	ssyncadd.s32 $0xFFFFE000  }
0x25: {  	_ =	swait.ge [sflag:s18], $0x2000  }
0x26: {  	[sflag:s18] =	ssyncset.done $0x0  }
0x27: {  	[sflag:s18] =	ssyncadd.s32 $0xFFFFE000  }
0x28: {  	_ =	swait.ge [sflag:s18], $0x2000  }
0x29: {  	[sflag:s18] =	ssyncset.done $0x0  }
0x2a: {  	[sflag:s18] =	ssyncadd.s32 $0xFFFFE000  }
0x2b: {  	_ =	swait.ge [sflag:s18], $0x2000  }
0x2c: {  	[sflag:s18] =	ssyncset.done $0x0  }
0x2d: {  	[sflag:s18] =	ssyncadd.s32 $0xFFFFE000  }
0x2e: {  	[hbm4b:s6+s2] =	stream.linear.scatter [tilespmem:s10], [sflag:$0x3], $0x8000, $0x38;
	[tilespmem:$0x16400] =	vst v63  }
0x2f: {  	_ =	swait.ge [sflag:s8], $0x8000  }
0x30: {  	[sflag:s8] =	ssyncset.done $0x0  }
0x31: {  	[sflag:s8] =	ssyncadd.s32 $0xFFFF8000  }
0x32: {  	_ =	swait.ge [sflag:s19], $0x2000  }
0x33: {  	[sflag:s19] =	ssyncset.done $0x0  }
0x34: {  	[sflag:s19] =	ssyncadd.s32 $0xFFFFE000  }
0x35: {  	_ =	swait.ge [sflag:s19], $0x2000  }
0x36: {  	[sflag:s19] =	ssyncset.done $0x0  }
0x37: {  	[sflag:s19] =	ssyncadd.s32 $0xFFFFE000  }
0x38: {  	_ =	swait.ge [sflag:s19], $0x2000  }
0x39: {  	[sflag:s19] =	ssyncset.done $0x0  }
0x3a: {  	[sflag:s19] =	ssyncadd.s32 $0xFFFFE000  }
0x3b: {  	_ =	swait.ge [sflag:s19], $0x2000  }
0x3c: {  	[sflag:s19] =	ssyncset.done $0x0  }
0x3d: {  	[sflag:s19] =	ssyncadd.s32 $0xFFFFE000  }
0x3e: {  	[hbm4b:s7+s2] =	stream.linear.scatter [tilespmem:s14], [sflag:$0x3], $0x8000, $0x38;
	[tilespmem:$0x16400] =	vst v63  }
0x3f: {  	s23 =	simm.s32 $0x1000;
	s22 =	sadd.s32 $0x2000, s6;
	_ =	swait.ge [sflag:s8], $0x8000  }
0x40: {  	s21 =	sadd.s32 $0x2000, s7;
	s25 =	simm.s32 $0x2000;
	[sflag:s8] =	ssyncset.done $0x0  }
.LBB2_2:
0x41: {  	s26 =	sshra.s32 s23, $0x2  }
0x42: {  	[sflag:s8] =	ssyncadd.s32 $0xFFFF8000;
	s23 =	smov.u32 s25;
	s24 =	sadd.s32 $0x1000, s25  }
0x43: {  	[tilespmem:s10], [sflag:$0x1] =	stream.indirect.gather [hbm4b:s3+s9], $0x40, s26, s9, $0xb8;
	[tilespmem:$0x16400] =	vst v63  }
0x44: {  	p0 =	sne.s32 s25, $0x18000;
	s25 =	sadd.s32 $0x80, s26  }
0x45: {  	[tilespmem:s11], [sflag:$0x1] =	stream.indirect.gather [hbm4b:s3+s9], $0x40, s25, s9, $0xb8;
	[tilespmem:$0x16400] =	vst v63  }
0x46: {  	s25 =	sadd.s32 $0x100, s26  }
0x47: {  	[tilespmem:s12], [sflag:$0x1] =	stream.indirect.gather [hbm4b:s3+s9], $0x40, s25, s9, $0xb8;
	[tilespmem:$0x16400] =	vst v63  }
0x48: {  	s25 =	sadd.s32 $0x180, s26  }
0x49: {  	[tilespmem:s13], [sflag:$0x1] =	stream.indirect.gather [hbm4b:s3+s9], $0x40, s25, s9, $0xb8;
	[tilespmem:$0x16400] =	vst v63  }
0x4a: {  	s25 =	sadd.s32 $0x200, s26  }
0x4b: {  	[tilespmem:s14], [sflag:$0x2] =	stream.indirect.gather [hbm4b:s3+s9], $0x40, s25, s9, $0xb8;
	[tilespmem:$0x16400] =	vst v63  }
0x4c: {  	s25 =	sadd.s32 $0x280, s26  }
0x4d: {  	[tilespmem:s15], [sflag:$0x2] =	stream.indirect.gather [hbm4b:s3+s9], $0x40, s25, s9, $0xb8;
	[tilespmem:$0x16400] =	vst v63  }
0x4e: {  	s25 =	sadd.s32 $0x300, s26  }
0x4f: {  	[tilespmem:s16], [sflag:$0x2] =	stream.indirect.gather [hbm4b:s3+s9], $0x40, s25, s9, $0xb8;
	[tilespmem:$0x16400] =	vst v63  }
0x50: {  	s25 =	sadd.s32 $0x380, s26  }
0x51: {  	[tilespmem:s17], [sflag:$0x2] =	stream.indirect.gather [hbm4b:s3+s9], $0x40, s25, s9, $0xb8;
	[tilespmem:$0x16400] =	vst v63  }
0x52: {  	_ =	swait.ge [sflag:s18], $0x2000  }
0x53: {  	[sflag:s18] =	ssyncset.done $0x0  }
0x54: {  	[sflag:s18] =	ssyncadd.s32 $0xFFFFE000  }
0x55: {  	_ =	swait.ge [sflag:s18], $0x2000  }
0x56: {  	[sflag:s18] =	ssyncset.done $0x0  }
0x57: {  	[sflag:s18] =	ssyncadd.s32 $0xFFFFE000  }
0x58: {  	_ =	swait.ge [sflag:s18], $0x2000  }
0x59: {  	[sflag:s18] =	ssyncset.done $0x0  }
0x5a: {  	[sflag:s18] =	ssyncadd.s32 $0xFFFFE000  }
0x5b: {  	_ =	swait.ge [sflag:s18], $0x2000  }
0x5c: {  	[sflag:s18] =	ssyncset.done $0x0  }
0x5d: {  	[sflag:s18] =	ssyncadd.s32 $0xFFFFE000  }
0x5e: {  	[hbm4b:s22+s2] =	stream.linear.scatter [tilespmem:s10], [sflag:$0x3], $0x8000, $0x38;
	[tilespmem:$0x16400] =	vst v63  }
0x5f: {  	_ =	swait.ge [sflag:s8], $0x8000  }
0x60: {  	[sflag:s8] =	ssyncset.done $0x0  }
0x61: {  	[sflag:s8] =	ssyncadd.s32 $0xFFFF8000  }
0x62: {  	_ =	swait.ge [sflag:s19], $0x2000  }
0x63: {  	[sflag:s19] =	ssyncset.done $0x0  }
0x64: {  	[sflag:s19] =	ssyncadd.s32 $0xFFFFE000  }
0x65: {  	_ =	swait.ge [sflag:s19], $0x2000  }
0x66: {  	[sflag:s19] =	ssyncset.done $0x0  }
0x67: {  	[sflag:s19] =	ssyncadd.s32 $0xFFFFE000  }
0x68: {  	_ =	swait.ge [sflag:s19], $0x2000  }
0x69: {  	[sflag:s19] =	ssyncset.done $0x0  }
0x6a: {  	[sflag:s19] =	ssyncadd.s32 $0xFFFFE000  }
0x6b: {  	_ =	swait.ge [sflag:s19], $0x2000  }
.Ltmp0:
0x6c: {  	[sflag:s19] =	ssyncset.done $0x0;
	(pc) =	sbr.rel @p0 .LBB2_2-.Ltmp0, $4  }
0x6d: {  	[sflag:s19] =	ssyncadd.s32 $0xFFFFE000  }
0x6e: {  	[hbm4b:s21+s2] =	stream.linear.scatter [tilespmem:s14], [sflag:$0x3], $0x8000, $0x38;
	[tilespmem:$0x16400] =	vst v63  }
0x6f: {  	s25 =	smov.u32 s24;
	_ =	swait.ge [sflag:s8], $0x8000  }
0x70: {  	s22 =	sadd.s32 $0x2000, s22;
	s21 =	sadd.s32 $0x2000, s21;
	[sflag:s8] =	ssyncset.done $0x0  }
0x71: {  	s23 =	sshra.s32 s23, $0x2;
	[sflag:s8] =	ssyncadd.s32 $0xFFFF8000  }
0x72: {  	[tilespmem:s10], [sflag:$0x1] =	stream.indirect.gather [hbm4b:s3+s9], $0x40, s23, s9, $0xb8;
	[tilespmem:$0x16400] =	vst v63  }
0x73: {  	s24 =	sadd.s32 $0x80, s23  }
0x74: {  	[tilespmem:s11], [sflag:$0x1] =	stream.indirect.gather [hbm4b:s3+s9], $0x40, s24, s9, $0xb8;
	[tilespmem:$0x16400] =	vst v63  }
0x75: {  	s26 =	sadd.s32 $0x100, s23  }
0x76: {  	[tilespmem:s12], [sflag:$0x1] =	stream.indirect.gather [hbm4b:s3+s9], $0x40, s26, s9, $0xb8;
	[tilespmem:$0x16400] =	vst v63  }
0x77: {  	s28 =	sadd.s32 $0x180, s23  }
0x78: {  	[tilespmem:s13], [sflag:$0x1] =	stream.indirect.gather [hbm4b:s3+s9], $0x40, s28, s9, $0xb8;
	[tilespmem:$0x16400] =	vst v63  }
0x79: {  	s29 =	sadd.s32 $0x200, s23  }
0x7a: {  	[tilespmem:s14], [sflag:$0x2] =	stream.indirect.gather [hbm4b:s3+s9], $0x40, s29, s9, $0xb8;
	[tilespmem:$0x16400] =	vst v63  }
0x7b: {  	s30 =	sadd.s32 $0x280, s23  }
0x7c: {  	[tilespmem:s15], [sflag:$0x2] =	stream.indirect.gather [hbm4b:s3+s9], $0x40, s30, s9, $0xb8;
	[tilespmem:$0x16400] =	vst v63  }
0x7d: {  	s31 =	sadd.s32 $0x300, s23  }
0x7e: {  	[tilespmem:s16], [sflag:$0x2] =	stream.indirect.gather [hbm4b:s3+s9], $0x40, s31, s9, $0xb8;
	[tilespmem:$0x16400] =	vst v63  }
0x7f: {  	s23 =	sadd.s32 $0x380, s23  }
0x80: {  	[tilespmem:s17], [sflag:$0x2] =	stream.indirect.gather [hbm4b:s3+s9], $0x40, s23, s9, $0xb8;
	[tilespmem:$0x16400] =	vst v63  }
0x81: {  	_ =	swait.ge [sflag:s18], $0x2000  }
0x82: {  	[sflag:s18] =	ssyncset.done $0x0  }
0x83: {  	[sflag:s18] =	ssyncadd.s32 $0xFFFFE000  }
0x84: {  	_ =	swait.ge [sflag:s18], $0x2000  }
0x85: {  	[sflag:s18] =	ssyncset.done $0x0  }
0x86: {  	[sflag:s18] =	ssyncadd.s32 $0xFFFFE000  }
0x87: {  	_ =	swait.ge [sflag:s18], $0x2000  }
0x88: {  	[sflag:s18] =	ssyncset.done $0x0  }
0x89: {  	[sflag:s18] =	ssyncadd.s32 $0xFFFFE000  }
0x8a: {  	_ =	swait.ge [sflag:s18], $0x2000  }
0x8b: {  	[sflag:s18] =	ssyncset.done $0x0  }
0x8c: {  	[sflag:s18] =	ssyncadd.s32 $0xFFFFE000  }
0x8d: {  	[hbm4b:s22+s2] =	stream.linear.scatter [tilespmem:s10], [sflag:$0x3], $0x8000, $0x38;
	[tilespmem:$0x16400] =	vst v63  }
0x8e: {  	_ =	swait.ge [sflag:s8], $0x8000  }
0x8f: {  	[sflag:s8] =	ssyncset.done $0x0  }
0x90: {  	[sflag:s8] =	ssyncadd.s32 $0xFFFF8000  }
0x91: {  	_ =	swait.ge [sflag:s19], $0x2000  }
0x92: {  	[sflag:s19] =	ssyncset.done $0x0  }
0x93: {  	[sflag:s19] =	ssyncadd.s32 $0xFFFFE000  }
0x94: {  	_ =	swait.ge [sflag:s19], $0x2000  }
0x95: {  	[sflag:s19] =	ssyncset.done $0x0  }
0x96: {  	[sflag:s19] =	ssyncadd.s32 $0xFFFFE000  }
0x97: {  	_ =	swait.ge [sflag:s19], $0x2000  }
0x98: {  	[sflag:s19] =	ssyncset.done $0x0  }
0x99: {  	[sflag:s19] =	ssyncadd.s32 $0xFFFFE000  }
0x9a: {  	s20 =	sadd.s32 $0x1, s20;
	_ =	swait.ge [sflag:s19], $0x2000  }
0x9b: {  	p0 =	sne.s32 s20, s5;
	[sflag:s19] =	ssyncset.done $0x0  }
.Ltmp1:
0x9c: {  	[sflag:s19] =	ssyncadd.s32 $0xFFFFE000;
	(pc) =	sbr.rel @p0 .LBB2_1-.Ltmp1, $4  }
0x9d: {  	[hbm4b:s21+s2] =	stream.linear.scatter [tilespmem:s14], [sflag:$0x3], $0x8000, $0x38;
	[tilespmem:$0x16400] =	vst v63  }
0x9e: {  	_ =	swait.ge [sflag:s8], $0x8000  }
0x9f: {  	[sflag:s8] =	ssyncset.done $0x0  }
0xa0: {  	[sflag:s8] =	ssyncadd.s32 $0xFFFF8000  }
0xa1: {  	_ =	sfence.sel $0x180000  }
0xa2: {  	[bflag:$0x0] =	sbarrier.arrive $0xFFFF  }
0xa3: {  	p0 =	sne.s32 s0, $0x0;
	_ =	strace $0x9000004A  }
0xa4: {  	s0 =	sadd.s32 @!p0 $0x100000, s1;
	[bflag:$0x2] =	sbarrier.arrive $0xFFFF  }
0xa5: {  	[sflag:s0] =	ssyncadd.tile.s32 @!p0 $0x1;
	_ =	shalt  }
.Lfunc_end2:
_tile_overlayer_lowered:
.L_overlay_start_2:
0xa6: {  	(tag) =	ssettag $0x2  }
0xa7: {  	s0 =	rddreg [dreg:$0x0];
	s2 =	stileid.u32  }
0xa8: {  	s1 =	rddreg [dreg:$0x1];
	p0 =	sne.s32 s2, $0x0  }
0xa9: {  	s3 =	rddreg [dreg:$0x2];
	[bflag:$0x3] =	sbarrier.arrive $0xFFFF;
	s2 =	simm.s32 @!p0 $0x1C03  }
0xaa: {  	[timem:s3], [sflag:s2] =	dma.local @!p0 [hbm:s0], s1  }
0xab: {  	s0 =	simm.s32 @!p0 $0x3  }
0xac: {  	_ =	swait.ge @!p0 [sflag:s0], s1  }
0xad: {  	s1 =	ssub.s32 @!p0 $0x0, s1;
	[sflag:s0] =	ssyncset.done @!p0 $0x0  }
0xae: {  	[sflag:s0] =	ssyncadd.s32 @!p0 s1  }
0xaf: {  	[bflag:$0x3] =	sbarrier.arrive $0xFFFF  }
0xb0: {  	_ =	shalt  }

// kernel: sparse-core-data-format-call.1.cloned.1.call-start
scs
called_computation.1_lowered:
.L_overlay_start_0:
0x0: {  	s1 =	sld [smem:$0x3FD9]  }
0x1: {  	s2 =	sld [smem:$0x3FFE];
	_ =	sdelay $0x1  }
0x2: {  	s3 =	srdreg.scid  }
0x3: {  	s0 =	sand.u32 $0x1, s3  }
0x4: {  	s17 =	sshll.u32 s0, $0xA;
	s1 =	sadd.s32 s2, s1  }
0x5: {  	s1 =	sadd.s32 s1, s17  }
0x6: {  	[smem:$0x3FC4] =	sst s1  }
0x7: {  	_ = 	snop  }
0x8: {  	(tm) =	ssettm $0x1  }
0x9: {  	s18 =	sld [smem:$0x3FFB];
	_ =	sdelay $0x3  }
0xa: {  	_ =	strace s18  }
0xb: {  	s1 =	sld [smem:$0x3FFC];
	_ =	sdelay $0x3  }
0xc: {  	_ =	strace s1  }
0xd: {  	s1 =	sld [smem:$0x3FFD];
	_ =	sdelay $0x3  }
0xe: {  	_ =	strace s1  }
0xf: {  	_ =	strace $0x8FFFFFFF  }
0x10: {  	s19 =	sld [smem:$0x3FDB];
	_ =	sdelay $0x1  }
0x11: {  	s20 =	simm.s32 $_scs_section_size  }
0x12: {  	s4 =	simm.s32 $_size__tile_overlayer_lowered;
	s5 =	simm.s32 $_tile_overlayer_lowered  }
0x13: {  	s23 =	simm.s32 $0x1BFF;
	s22 =	sshll.u32 s5, $0x1;
	s1 =	sadd.s32 s20, s19  }
0x14: {  	s6 =	simm.s32 $0x0;
	s21 =	sshll.u32 s4, $0x1;
	s4 =	sadd.s32 s22, s1  }
0x15: {  	[timem:s6], [sflag:s23] =	dma.local [hbm:s4], s21  }
0x16: {  	_ =	swait.ge [sflag:s23], s21  }
0x17: {  	s2 =	ssub.s32 $0x0, s21;
	[sflag:s23] =	ssyncset.done $0x0  }
0x18: {  	[sflag:s23] =	ssyncadd.s32 s2;
	_ =	sdelay $0x1  }
0x19: {  	s24 =	simm.s32 $0x1B8B  }
0x1a: {  	_ =	swait.ge [sflag:s24], $0x1  }
0x1b: {  	[sflag:s24] =	ssyncset.done $0x0  }
0x1c: {  	s26 =	simm.s32 $0x1B8E;
	s25 =	sld [smem:$0x3FFE];
	[sflag:s24] =	ssyncadd.s32 $0xFFFFFFFF  }
0x1d: {  	s27 =	simm.s32 $execute0_lowered;
	[smem:$0x3FD2] =	sst s26  }
0x1e: {  	s4 =	sshll.u32 s27, $0x1;
	_ =	strace $0x80000046;
	[dreg:$0x1] =	wrdreg $0xFFFFFFFF  }
0x1f: {  	s28 =	simm.s32 $_size_execute0_lowered;
	s1 =	sadd.s32 s1, s4;
	[dreg:$0x0] =	wrdreg $0x0  }
0x20: {  	s4 =	sshll.u32 s28, $0x1;
	[dreg:$0x2] =	wrdreg s1  }
0x21: {  	[dreg:$0x3] =	wrdreg s4  }
0x22: {  	[dreg:$0x4] =	wrdreg $0xC0  }
0x23: {  	_ =	task [dreg:s6], $0x5FFFF  }
0x24: {  	[dreg:$0x1] =	wrdreg $0xFFFFFFFF  }
0x25: {  	[dreg:$0x0] =	wrdreg $0x60  }
0x26: {  	[dreg:$0x2] =	wrdreg s25  }
0x27: {  	[dreg:$0x3] =	wrdreg $0x9  }
0x28: {  	_ =	task.clear_ibuf [dreg:s6], $0x4FFFF;
	_ =	strace $0x90000046  }
0x29: {  	s29 =	simm.s32 $0x9;
	_ =	strace $0x80000048  }
0x2a: {  	_ =	swait.ge [sflag:s29], $0x1  }
0x2b: {  	[sflag:s29] =	ssyncadd.s32 $0xFFFFFFFF  }
0x2c: {  	_ =	strace $0x90000048  }
0x2d: {  	_ =	sfence  }
0x2e: {  	s30 =	sld [smem:$0x0];
	_ =	sdelay $0x2  }
0x2f: {  	s31 =	sshll.u32 s3, $0xD;
	s3 =	sshrl.u32 s3, $0x2  }
0x30: {  	s2 =	sand.u32 $0x4000, s31;
	s1 =	sadd.s32 s3, s30  }
0x31: {  	s0 =	sor.u32 s2, s0;
	s1 =	sshll.u32 s1, $0x11  }
0x32: {  	s0 =	sor.u32 s1, s0  }
0x33: {  	s0 =	sadd.s32 $0x8F2B, s0  }
0x34: {  	[sflag:s0] =	ssyncadd.remote.s32 $0x1  }
0x35: {  	_ =	sfence.sel $0xFFFF  }
0x36: {  	[dreg:$0x0] =	wrdreg $0xFFFFFFFF;
	(pc) =	sbr.abs _section_cstart, $3  }
0x37: {  	[dreg:$0x1] =	wrdreg $0xFFFFFFFF  }
0x38: {  	_ =	task.clear_ibuf [dreg:s6], $0x2FFFF;
	_ =	strace $0x9FFFFFFF  }
0x39: {  	(tm) =	ssettm $0x7FFFFFFF  }
tec
execute0_lowered:
.L_overlay_start_1:
0x0: {  	(tag) =	ssettag $0x1  }
0x1: {  	s0 =	srdreg.scid  }
0x2: {  	s5 =	rddreg [dreg:$0x0];
	s1 =	stileid.u32;
	s4 =	simm.s32 $0x1  }
0x3: {  	s6 =	simm.s32 $0x2;
	s8 =	simm.s32 $0x0;
	s2 =	sshll.u32 s0, $0x4  }
0x4: {  	s9 =	simm.s32 $0x0;
	s13 =	simm.s32 $0x0;
	s2 =	sand.u32 $0x10, s2  }
.Ltmp0:
0x5: {  	s10 =	simm.s32 $0x0;
	s3 =	sor.u32 s1, s2;
	(pc) =	sbr.rel .LBB1_1-.Ltmp0, $4  }
0x6: {  	s0 =	rddreg [dreg:$0x1];
	_ =	strace $0x80000047;
	s3 =	sshll.u32 s3, $0x3  }
0x7: {  	s12 =	simm.s32 $0x0;
	[sflag:s4] =	ssyncpa.u1 $0x0;
	s7 =	ssub.s32 $0x7A10, s3  }
0x8: {  	s2 =	sadd.s32 $0x1400, s5;
	[sflag:s6] =	ssyncpa.u1 $0x0;
	s6 =	sshrl.u32 s7, $0x8  }
0x9: {  	s5 =	sadd.s32 $0x7A2600, s5;
	s11 =	smov.u32 s3;
	s7 =	sadd.s32 $0x2, s6  }
.LBB1_9:
0xa: {  	s15 =	sshll.u32 s12, $0xE  }
0xb: {  	s16 =	sshll.u32 s10, $0x8;
	s15 =	sand.u32 $0x4000, s15  }
0xc: {  	s16 =	sadd.s32 s5, s16;
	s15 =	sor.u32 $0x8000, s15  }
0xd: {  	[hbm4b:s16+s8] =	stream.linear.scatter [tilespmem:s15], [sflag:$0x2], s14, $0x38;
	[tilespmem:$0x10000] =	vst v63  }
.LBB1_10:
0xe: {  	p0 =	slt.u32 s12, $0x2  }
0xf: {  	p1 =	sgt.s32 @!p0 s13, $0x7A0A  }
0x10: {  	s14 =	smov.u32 s13;
	s15 =	sshra.s32 @!p0 s13, $0x1F;
	p1 =	por !p1, p0  }
0x11: {  	s13 =	sand.u32 @!p0 s15, s13;
	s14 =	simm.s32 @p1 $0x7A0A  }
0x12: {  	s13 =	ssub.s32 @!p0 s14, s13  }
0x13: {  	s13 =	sadd.s32 @!p0 $0xFFFF85F6, s13  }
0x14: {  	s14 =	sshll.u32 @!p0 s13, $0xD  }
0x15: {  	p1 =	sgt.s32 @!p0 s13, $0x7;
	s13 =	ssub.s32 @!p0 $0x10000, s14  }
0x16: {  	s15 =	sadd.s32 $0x100, s11;
	p1 =	por !p1, p0;
	s13 =	sshrl.u32 @!p0 s13, $0x2  }
0x17: {  	s13 =	simm.s32 @!p1 $0x0;
	p1 =	sgt.s32 s15, $0x7A11  }
0x18: {  	s15 =	smov.u32 @p1 s3;
	p1 =	sne.s32 s12, s7  }
.Ltmp1:
0x19: {  	_ = 	snop;
	(pc) =	sbr.rel @!p1 .LBB1_11-.Ltmp1, $4  }
0x1a: {  	s14 =	simm.s32 @!p0 $0x2  }
0x1b: {  	s9 =	sadd.s32 $0x4000, s9;
	_ =	swait.ge @!p0 [sflag:s14], s13;
	s16 =	ssub.s32 @!p0 $0x0, s13  }
0x1c: {  	s13 =	smov.u32 s10;
	s12 =	sadd.s32 $0x1, s12;
	[sflag:s14] =	ssyncset.done @!p0 $0x0  }
0x1d: {  	s10 =	smov.u32 s11;
	s11 =	smov.u32 s15;
	[sflag:s14] =	ssyncadd.s32 @!p0 s16  }
.LBB1_1:
0x1e: {  	p0 =	sgt.u32 s12, s6  }
0x1f: {  	p1 =	sgt.s32 @!p0 s11, $0x7A0A  }
0x20: {  	s14 =	smov.u32 s11;
	s15 =	sshra.s32 @!p0 s11, $0x1F;
	p1 =	por !p1, p0  }
0x21: {  	s15 =	sand.u32 @!p0 s15, s11;
	s14 =	simm.s32 @p1 $0x7A0A  }
0x22: {  	s14 =	ssub.s32 @!p0 s14, s15  }
0x23: {  	s14 =	sadd.s32 @!p0 $0xFFFF85F6, s14  }
0x24: {  	s17 =	simm.s32 @!p0 $0x0;
	s15 =	sxor.u32 @!p0 $0xFFFFFFFF, s12;
	s16 =	sshll.u32 @!p0 s14, $0xD  }
0x25: {  	s15 =	sshll.u32 @!p0 s15, $0xE;
	p1 =	sgt.s32 @!p0 s14, $0x7;
	s14 =	ssub.s32 @!p0 $0x10000, s16  }
0x26: {  	p1 =	por !p1, p0;
	s16 =	sshll.u32 @!p0 s11, $0x8;
	s14 =	sshrl.u32 @!p0 s14, $0x2  }
0x27: {  	s15 =	sand.u32 @!p0 $0x4000, s15;
	s16 =	sadd.s32 @!p0 s2, s16;
	s14 =	simm.s32 @!p1 $0x0  }
0x28: {  	[tilespmem:s15], [sflag:$0x1] =	stream.linear.gather @!p0 [hbm4b:s16+s17], s14, $0x38;
	[tilespmem:$0x10000] =	vst v63  }
0x29: {  	p0 =	seq.s32 s12, $0x0  }
0x2a: {  	p1 =	sge.u32 @!p0 s12, s7  }
0x2b: {  	p0 =	por p0, p1  }
.Ltmp2:
0x2c: {  	_ = 	snop;
	(pc) =	sbr.rel @p0 .LBB1_10-.Ltmp2, $1  }
0x2d: {  	_ =	sdelay $0x3  }
0x2e: {  	p0 =	sgt.s32 s10, $0x7A0A;
	s14 =	smov.u32 s10;
	s15 =	sshra.s32 s10, $0x1F  }
0x2f: {  	s14 =	simm.s32 @!p0 $0x7A0A;
	s15 =	sand.u32 s15, s10  }
0x30: {  	s14 =	ssub.s32 s14, s15  }
0x31: {  	s16 =	sadd.s32 $0x8, s10;
	s14 =	sadd.s32 $0xFFFF85F6, s14  }
0x32: {  	p1 =	slt.s32 s16, $0x7A12;
	s30 =	sshll.u32 s14, $0xD  }
0x33: {  	s16 =	simm.s32 @!p1 $0x7A12;
	s15 =	ssub.s32 $0x10000, s30  }
0x34: {  	p0 =	sgt.s32 s14, $0x7;
	s14 =	sshrl.u32 s15, $0x2;
	s15 =	ssub.s32 s16, s10  }
0x35: {  	s14 =	simm.s32 @p0 $0x0;
	p0 =	slt.s32 s15, $0x1  }
.Ltmp3:
0x36: {  	_ = 	snop;
	(pc) =	sbr.rel @p0 .LBB1_9-.Ltmp3, $4  }
0x37: {  	_ = 	snop  }
0x38: {  	_ =	swait.ge [sflag:s4], s14  }
0x39: {  	s31 =	ssub.s32 $0x0, s14;
	[sflag:s4] =	ssyncset.done $0x0  }
0x3a: {  	[sflag:s4] =	ssyncadd.s32 s31  }
0x3b: {  	s16 =	sshll.u32 s9, $0x2  }
0x3c: {  	s16 =	sand.u32 $0x10000, s16  }
0x3d: {  	s16 =	sshrl.u32 s16, $0x2  }
0x3e: {  	s18 =	simm.s32 $0x0;
	s19 =	simm.s32 $0x0;
	s17 =	sor.u32 $0x8000, s16  }
.LBB1_4:
0x3f: {  	s20 =	sshra.s32 s18, $0x2  }
0x40: {  	v0 =	vmov s20;
	_ =	sdelay $0x3  }
0x41: {  	p1 =	por $0x1, $0x1;
	s20 =	simm.s32 $0x0  }
.LBB1_5:
0x42: {  	_ = 	snop  }
0x43: {  	s21 =	sshll.u32 s20, $0xA  }
0x44: {  	s21 =	sand.u32 $0x3FFFFC00, s21  }
0x45: {  	s21 =	sadd.s32 s21, s16  }
0x46: {  	v5 =	vld.idx.msk [tilespmem:v0+s21+$0x70 ss:$0x1], $0xffff  }
0x47: {  	v6 =	vld.idx.msk [tilespmem:v0+s21+$0x10 ss:$0x1], $0xffff  }
0x48: {  	v7 =	vld.idx.msk [tilespmem:v0+s21+$0x20 ss:$0x1], $0xffff  }
0x49: {  	s31 =	sshll.u32 s20, $0x7;
	v1 =	vld.idx.msk [tilespmem:v0+s21+$0x30 ss:$0x1], $0xffff  }
0x4a: {  	s20 =	sand.u32 $0x3FFFFF80, s31;
	v2 =	vld.idx.msk [tilespmem:v0+s21+$0x40 ss:$0x1], $0xffff  }
0x4b: {  	s20 =	sadd.s32 s20, s17;
	v3 =	vld.idx.msk [tilespmem:v0+s21+$0x50 ss:$0x1], $0xffff  }
0x4c: {  	v4 =	vld.idx.msk [tilespmem:v0+s21+$0x60 ss:$0x1], $0xffff;
	[tilespmem:v0+s20+$0x70 ss:$0x1] =	vst.idx.msk $0xffff, v5  }
0x4d: {  	v5 =	vld.idx.msk [tilespmem:v0+s21+$0x0 ss:$0x1], $0xffff;
	[tilespmem:v0+s20+$0x10 ss:$0x1] =	vst.idx.msk $0xffff, v6;
	s21 =	sadd.s32 $0x80, s21  }
0x4e: {  	p0 =	por p1, p1;
	s22 =	simm.s32 $0x6;
	[tilespmem:v0+s20+$0x20 ss:$0x1] =	vst.idx.msk $0xffff, v7;
	v6 =	vld.idx.msk [tilespmem:v0+s21+$0x70 ss:$0x1], $0xffff  }
.LBB1_6:
0x4f: {  	p1 =	sne.s32 s22, $0x1;
	v7 =	vld.idx.msk [tilespmem:v0+s21+$0x10 ss:$0x1], $0xffff;
	[tilespmem:v0+s20+$0x30 ss:$0x1] =	vst.idx.msk $0xffff, v1  }
0x50: {  	v8 =	vld.idx.msk [tilespmem:v0+s21+$0x20 ss:$0x1], $0xffff;
	[tilespmem:v0+s20+$0x40 ss:$0x1] =	vst.idx.msk $0xffff, v2  }
0x51: {  	v1 =	vld.idx.msk [tilespmem:v0+s21+$0x30 ss:$0x1], $0xffff;
	[tilespmem:v0+s20+$0x50 ss:$0x1] =	vst.idx.msk $0xffff, v3  }
.Ltmp4:
0x52: {  	v2 =	vld.idx.msk [tilespmem:v0+s21+$0x40 ss:$0x1], $0xffff;
	[tilespmem:v0+s20+$0x60 ss:$0x1] =	vst.idx.msk $0xffff, v4;
	(pc) =	sbr.rel @p1 .LBB1_6-.Ltmp4, $4  }
0x53: {  	v3 =	vld.idx.msk [tilespmem:v0+s21+$0x50 ss:$0x1], $0xffff;
	[tilespmem:v0+s20+$0x0 ss:$0x1] =	vst.idx.msk $0xffff, v5;
	s20 =	sadd.s32 $0x100, s20  }
0x54: {  	v4 =	vld.idx.msk [tilespmem:v0+s21+$0x60 ss:$0x1], $0xffff;
	[tilespmem:v0+s20+$0x70 ss:$0x1] =	vst.idx.msk $0xffff, v6  }
0x55: {  	v5 =	vld.idx.msk [tilespmem:v0+s21+$0x0 ss:$0x1], $0xffff;
	[tilespmem:v0+s20+$0x10 ss:$0x1] =	vst.idx.msk $0xffff, v7;
	s21 =	sadd.s32 $0x80, s21  }
0x56: {  	s22 =	sadd.s32 $0xFFFFFFFF, s22;
	v6 =	vld.idx.msk [tilespmem:v0+s21+$0x70 ss:$0x1], $0xffff;
	[tilespmem:v0+s20+$0x20 ss:$0x1] =	vst.idx.msk $0xffff, v8  }
0x57: {  	_ =	sdelay $0x3  }
0x58: {  	[tilespmem:v0+s20+$0x30 ss:$0x1] =	vst.idx.msk $0xffff, v1  }
0x59: {  	v1 =	vld.idx.msk [tilespmem:v0+s21+$0x10 ss:$0x1], $0xffff;
	[tilespmem:v0+s20+$0x40 ss:$0x1] =	vst.idx.msk $0xffff, v2  }
0x5a: {  	v2 =	vld.idx.msk [tilespmem:v0+s21+$0x20 ss:$0x1], $0xffff;
	[tilespmem:v0+s20+$0x50 ss:$0x1] =	vst.idx.msk $0xffff, v3  }
0x5b: {  	v61 =	vld.idx.msk [tilespmem:v0+s21+$0x40 ss:$0x1], $0xffff;
	[tilespmem:v0+s20+$0x60 ss:$0x1] =	vst.idx.msk $0xffff, v4  }
0x5c: {  	s31 =	sadd.s32 $0x100, s20;
	v62 =	vld.idx.msk [tilespmem:v0+s21+$0x50 ss:$0x1], $0xffff;
	[tilespmem:v0+s20+$0x0 ss:$0x1] =	vst.idx.msk $0xffff, v5  }
0x5d: {  	v63 =	vld.idx.msk [tilespmem:v0+s21+$0x60 ss:$0x1], $0xffff;
	[tilespmem:v0+s31+$0x70 ss:$0x1] =	vst.idx.msk $0xffff, v6  }
0x5e: {  	v3 =	vld.idx.msk [tilespmem:v0+s21+$0x30 ss:$0x1], $0xffff;
	[tilespmem:v0+s31+$0x10 ss:$0x1] =	vst.idx.msk $0xffff, v1  }
0x5f: {  	v1 =	vld.idx.msk [tilespmem:v0+s21+$0x0 ss:$0x1], $0xffff;
	[tilespmem:v0+s31+$0x20 ss:$0x1] =	vst.idx.msk $0xffff, v2  }
.Ltmp5:
0x60: {  	[tilespmem:v0+s31+$0x40 ss:$0x1] =	vst.idx.msk $0xffff, v61;
	(pc) =	sbr.rel @p0 .LBB1_5-.Ltmp5, $4  }
0x61: {  	[tilespmem:v0+s31+$0x50 ss:$0x1] =	vst.idx.msk $0xffff, v62  }
0x62: {  	[tilespmem:v0+s31+$0x60 ss:$0x1] =	vst.idx.msk $0xffff, v63  }
0x63: {  	[tilespmem:v0+s31+$0x30 ss:$0x1] =	vst.idx.msk $0xffff, v3  }
0x64: {  	p1 =	por $0x0, $0x0;
	s20 =	simm.s32 $0x1;
	[tilespmem:v0+s31+$0x0 ss:$0x1] =	vst.idx.msk $0xffff, v1  }
0x65: {  	s19 =	sadd.s32 $0x1, s19  }
0x66: {  	p0 =	sne.s32 s19, s15  }
.Ltmp6:
0x67: {  	_ = 	snop;
	(pc) =	sbr.rel @p0 .LBB1_4-.Ltmp6, $4  }
.Ltmp7:
0x68: {  	_ = 	snop;
	(pc) =	sbr.rel @!p0 .LBB1_9-.Ltmp7, $4  }
0x69: {  	_ = 	snop  }
0x6a: {  	_ = 	snop  }
0x6b: {  	s18 =	sadd.s32 $0x2000, s18  }
0x6c: {  	_ = 	snop  }
.LBB1_11:
0x6d: {  	_ =	sfence.sel $0x180000  }
0x6e: {  	s2 =	simm.s32 $0x1;
	[bflag:$0x0] =	sbarrier.arrive $0xFFFF  }
0x6f: {  	s31 =	simm.s32 $0x2;
	[sflag:s2] =	ssyncpa.u1 $0x1  }
0x70: {  	[sflag:s31] =	ssyncpa.u1 $0x1  }
0x71: {  	p0 =	sne.s32 s1, $0x0;
	_ =	strace $0x90000047  }
0x72: {  	s0 =	sadd.s32 @!p0 $0x100000, s0;
	[bflag:$0x2] =	sbarrier.arrive $0xFFFF  }
0x73: {  	[sflag:s0] =	ssyncadd.tile.s32 @!p0 $0x1;
	_ =	shalt  }
.Lfunc_end1:
_tile_overlayer_lowered:
.L_overlay_start_2:
0x74: {  	(tag) =	ssettag $0x2  }
0x75: {  	s0 =	rddreg [dreg:$0x0];
	s2 =	stileid.u32  }
0x76: {  	s1 =	rddreg [dreg:$0x1];
	p0 =	sne.s32 s2, $0x0  }
0x77: {  	s3 =	rddreg [dreg:$0x2];
	[bflag:$0x3] =	sbarrier.arrive $0xFFFF;
	s2 =	simm.s32 @!p0 $0x1C01  }
0x78: {  	[timem:s3], [sflag:s2] =	dma.local @!p0 [hbm:s0], s1  }
0x79: {  	s0 =	simm.s32 @!p0 $0x1  }
0x7a: {  	_ =	swait.ge @!p0 [sflag:s0], s1  }
0x7b: {  	s1 =	ssub.s32 @!p0 $0x0, s1;
	[sflag:s0] =	ssyncset.done @!p0 $0x0  }
0x7c: {  	[sflag:s0] =	ssyncadd.s32 @!p0 s1  }
0x7d: {  	[bflag:$0x3] =	sbarrier.arrive $0xFFFF  }
0x7e: {  	_ =	shalt  }

// kernel: sparse-core-data-format-call.cloned.1.call-start
scs
called_computation_lowered:
.L_overlay_start_0:
0x0: {  	s2 =	sld [smem:$0x3FD9]  }
0x1: {  	s3 =	sld [smem:$0x3FFE];
	_ =	sdelay $0x1  }
0x2: {  	s1 =	srdreg.scid  }
0x3: {  	s0 =	sand.u32 $0x1, s1  }
0x4: {  	s18 =	sshll.u32 s0, $0xA;
	s2 =	sadd.s32 s3, s2  }
0x5: {  	s2 =	sadd.s32 s2, s18  }
0x6: {  	[smem:$0x3FC4] =	sst s2  }
0x7: {  	_ = 	snop  }
0x8: {  	s2 =	sld [smem:$0x3FD0];
	(tm) =	ssettm $0x1  }
0x9: {  	s19 =	sld [smem:$0x3FFB];
	_ =	sdelay $0x3  }
0xa: {  	_ =	strace s19  }
0xb: {  	s3 =	sld [smem:$0x3FFC];
	_ =	sdelay $0x3  }
0xc: {  	_ =	strace s3  }
0xd: {  	s3 =	sld [smem:$0x3FFD];
	_ =	sdelay $0x3  }
0xe: {  	_ =	strace s3  }
0xf: {  	_ =	strace $0x8FFFFFFF  }
0x10: {  	s20 =	sld [smem:$0x3FDB];
	_ =	sdelay $0x1  }
0x11: {  	s4 =	simm.s32 $_scs_section_size  }
0x12: {  	s5 =	simm.s32 $_size__tile_overlayer_lowered;
	s6 =	simm.s32 $_tile_overlayer_lowered  }
0x13: {  	s23 =	simm.s32 $0x1BFF;
	s22 =	sshll.u32 s6, $0x1;
	s3 =	sadd.s32 s4, s20  }
0x14: {  	s7 =	simm.s32 $0x0;
	s21 =	sshll.u32 s5, $0x1;
	s5 =	sadd.s32 s22, s3  }
0x15: {  	[timem:s7], [sflag:s23] =	dma.local [hbm:s5], s21  }
0x16: {  	_ =	swait.ge [sflag:s23], s21  }
0x17: {  	s4 =	ssub.s32 $0x0, s21;
	[sflag:s23] =	ssyncset.done $0x0  }
0x18: {  	[sflag:s23] =	ssyncadd.s32 s4;
	_ =	sdelay $0x1  }
0x19: {  	s24 =	simm.s32 $0x1B8B  }
0x1a: {  	_ =	swait.ge [sflag:s24], $0x1  }
0x1b: {  	[sflag:s24] =	ssyncset.done $0x0  }
0x1c: {  	s26 =	simm.s32 $0x1B8E;
	s25 =	sld [smem:$0x3FFE];
	[sflag:s24] =	ssyncadd.s32 $0xFFFFFFFF  }
0x1d: {  	s27 =	simm.s32 $execute0_lowered;
	[smem:$0x3FD2] =	sst s26  }
0x1e: {  	s5 =	sshll.u32 s27, $0x1;
	_ =	strace $0x8000004C;
	[dreg:$0x1] =	wrdreg $0xFFFFFFFF  }
0x1f: {  	s28 =	simm.s32 $_size_execute0_lowered;
	s3 =	sadd.s32 s3, s5;
	[dreg:$0x0] =	wrdreg $0x0  }
0x20: {  	s5 =	sshll.u32 s28, $0x1;
	[dreg:$0x2] =	wrdreg s3  }
0x21: {  	[dreg:$0x3] =	wrdreg s5  }
0x22: {  	[dreg:$0x4] =	wrdreg $0xC0  }
0x23: {  	_ =	task [dreg:s7], $0x5FFFF  }
0x24: {  	[dreg:$0x1] =	wrdreg $0xFFFFFFFF  }
0x25: {  	[dreg:$0x0] =	wrdreg $0x60  }
0x26: {  	[dreg:$0x2] =	wrdreg s25  }
0x27: {  	[dreg:$0x3] =	wrdreg s2  }
0x28: {  	[dreg:$0x4] =	wrdreg $0x9  }
0x29: {  	_ =	task.clear_ibuf [dreg:s7], $0x5FFFF;
	_ =	strace $0x9000004C  }
0x2a: {  	s29 =	simm.s32 $0x9;
	_ =	strace $0x8000004E  }
0x2b: {  	_ =	swait.ge [sflag:s29], $0x1  }
0x2c: {  	[sflag:s29] =	ssyncadd.s32 $0xFFFFFFFF  }
0x2d: {  	_ =	strace $0x9000004E  }
0x2e: {  	_ =	sfence  }
0x2f: {  	s30 =	sld [smem:$0x0];
	_ =	sdelay $0x2  }
0x30: {  	s31 =	sshll.u32 s1, $0xD;
	s1 =	sshrl.u32 s1, $0x2  }
0x31: {  	s3 =	sand.u32 $0x4000, s31;
	s1 =	sadd.s32 s1, s30  }
0x32: {  	s0 =	sor.u32 s3, s0;
	s1 =	sshll.u32 s1, $0x11  }
0x33: {  	s0 =	sor.u32 s1, s0  }
0x34: {  	s0 =	sadd.s32 $0x8F2B, s0  }
0x35: {  	[sflag:s0] =	ssyncadd.remote.s32 $0x1  }
0x36: {  	_ =	sfence.sel $0xFFFF  }
0x37: {  	[dreg:$0x0] =	wrdreg $0xFFFFFFFF;
	(pc) =	sbr.abs _section_cstart, $3  }
0x38: {  	[dreg:$0x1] =	wrdreg $0xFFFFFFFF  }
0x39: {  	_ =	task.clear_ibuf [dreg:s7], $0x2FFFF;
	_ =	strace $0x9FFFFFFF  }
0x3a: {  	(tm) =	ssettm $0x7FFFFFFF  }
0x3b: {  	_ =	shalt  }
tec
execute0_lowered:
.L_overlay_start_1:
0x0: {  	(tag) =	ssettag $0x1  }
0x1: {  	s0 =	srdreg.scid  }
0x2: {  	s1 =	sshll.u32 s0, $0x4  }
0x3: {  	s0 =	stileid.u32;
	s1 =	sand.u32 $0x10, s1  }
0x4: {  	s1 =	sor.u32 s0, s1  }
0x5: {  	s6 =	rddreg [dreg:$0x0];
	s4 =	simm.s32 $0x1;
	s2 =	sshll.u32 s1, $0x7  }
0x6: {  	s7 =	simm.s32 $0x2;
	s12 =	simm.s32 $0x0;
	s1 =	ssub.s32 $0x1000, s2  }
0x7: {  	s8 =	simm.s32 $0x8000;
	s13 =	simm.s32 $0x0;
	s3 =	sand.u32 $0xF80, s1  }
0x8: {  	s9 =	simm.s32 $0x0;
	s5 =	sshrl.u32 s1, $0xC;
	p0 =	sne.s32 s3, $0x0  }
.Ltmp0:
0x9: {  	s1 =	rddreg [dreg:$0x2];
	s4 =	simm.s32 @!p0 $0x0;
	(pc) =	sbr.rel .LBB1_1-.Ltmp0, $4  }
0xa: {  	s11 =	simm.s32 $0x0;
	s3 =	rddreg [dreg:$0x1];
	s5 =	sadd.s32 s4, s5  }
0xb: {  	_ =	strace $0x8000004D;
	s4 =	simm.s32 $0x1;
	s5 =	smul.u32 $0xC8, s5  }
0xc: {  	s6 =	sadd.s32 $0x1400, s6;
	s10 =	smov.u32 s2;
	[sflag:s4] =	ssyncpa.u1 $0x0  }
0xd: {  	p0 =	por $0x0, $0x0;
	[sflag:s7] =	ssyncpa.u1 $0x0;
	s7 =	sor.u32 $0x1, s5  }
.LBB1_4:
0xe: {  	s16 =	sshll.u32 s13, $0x3;
	s17 =	sand.u32 $0x78, s13  }
0xf: {  	s30 =	sand.u32 $0x7E00, s13;
	s12 =	sshll.u32 s12, $0xF;
	s16 =	sand.u32 $0xC00, s16  }
0x10: {  	[tilespmem:s15+$0x810 ss:$0x81] =	vst.msk $0xffff, v2;
	s31 =	sand.u32 $0x7, s13;
	s16 =	sor.u32 s17, s16;
	s17 =	sadd.s32 s3, s30  }
0x11: {  	[tilespmem:s15+$0x1020 ss:$0x81] =	vst.msk $0xffff, v0;
	s13 =	sshll.u32 s31, $0x12;
	s12 =	sadd.s32 s12, s17;
	s16 =	sshrl.u32 s16, $0x3  }
0x12: {  	[tilespmem:s15+$0x0 ss:$0x81] =	vst.msk $0xffff, v1;
	s13 =	sor.u32 $0x400, s13;
	s12 =	sadd.s32 s16, s12  }
0x13: {  	[hbm4b:s12+s13] =	stream.strided.scatter [tilespmem:s14], [sflag:$0x2], $0x2000, s8, s13, $0x20;
	[tilespmem:$0x8080] =	vst v63  }
.LBB1_5:
0x14: {  	s14 =	sadd.s32 $0x1, s9  }
0x15: {  	s12 =	sadd.s32 $0x1000, s10;
	s16 =	smov.u32 s10;
	p2 =	sgt.s32 s14, $0xC7  }
0x16: {  	s16 =	smov.u32 @p2 s12  }
0x17: {  	s14 =	simm.s32 @p2 $0x0;
	p2 =	sgt.s32 s16, $0xFFF  }
0x18: {  	s16 =	smov.u32 @p2 s2;
	p2 =	sne.s32 s11, s7  }
.Ltmp1:
0x19: {  	p1 =	slt.u32 s11, $0x2;
	(pc) =	sbr.rel @!p2 .LBB1_6-.Ltmp1, $4  }
0x1a: {  	s15 =	simm.s32 @!p1 $0x2  }
0x1b: {  	s13 =	smov.u32 s10;
	p0 =	por !p0, !p0;
	_ =	swait.ge @!p1 [sflag:s15], $0x2000  }
0x1c: {  	s12 =	smov.u32 s9;
	[sflag:s15] =	ssyncset.done @!p1 $0x0;
	s9 =	smov.u32 s14  }
0x1d: {  	s11 =	sadd.s32 $0x1, s11;
	[sflag:s15] =	ssyncadd.s32 @!p1 $0xFFFFE000;
	s10 =	smov.u32 s16  }
.LBB1_1:
0x1e: {  	p1 =	sge.u32 s11, s5  }
0x1f: {  	s14 =	sand.u32 @!p1 $0x1FFFFFF, s9  }
0x20: {  	s15 =	smulhi.u32 @!p1 $0x147AE15, s14;
	_ =	sdelay $0x1  }
0x21: {  	s15 =	smul.u32 @!p1 $0xC8, s15  }
0x22: {  	s16 =	sxor.u32 @!p1 $0xFFFFFFFF, s11;
	s17 =	smul.u32 @!p1 $0xC80, s10  }
0x23: {  	s31 =	sadd.s32 $0xFFFFFFFF, s11;
	s16 =	sshll.u32 @!p1 s16, $0xD;
	s14 =	ssub.s32 @!p1 s14, s15  }
0x24: {  	s15 =	sand.u32 @!p1 $0x2000, s16;
	s16 =	sadd.s32 @!p1 s6, s17;
	s14 =	sshll.u32 @!p1 s14, $0x4  }
0x25: {  	s17 =	simm.s32 @!p1 $0x6400;
	s14 =	sadd.s32 @!p1 s14, s16;
	s16 =	simm.s32 @!p1 $0x40  }
0x26: {  	[tilespmem:s15], [sflag:$0x1] =	stream.strided.gather @!p1 [hbm4b:s14+s16], $0x2000, s17, s16, $0x38;
	[tilespmem:$0x8080] =	vst v63  }
0x27: {  	p1 =	sge.u32 s31, s5  }
.Ltmp2:
0x28: {  	_ = 	snop;
	(pc) =	sbr.rel @p1 .LBB1_5-.Ltmp2, $1  }
0x29: {  	_ =	sdelay $0x3  }
0x2a: {  	s14 =	simm.s32 $0x1  }
0x2b: {  	_ =	swait.ge [sflag:s4], $0x2000;
	s14 =	simm.s32 @!p0 $0x0  }
0x2c: {  	[sflag:s4] =	ssyncset.done $0x0;
	s15 =	sshll.u32 s14, $0xD  }
0x2d: {  	[sflag:s4] =	ssyncadd.s32 $0xFFFFE000;
	s18 =	sor.u32 $0x20, s15  }
0x2e: {  	s14 =	smul.u32 $0x8100, s14;
	v3 =	vld [tilespmem:s18+$0x10]  }
0x2f: {  	s30 =	sand.u32 $0x1, s11;
	v2 =	vld [tilespmem:s18+$0xFFFFFFF0]  }
0x30: {  	s15 =	smul.u32 $0x8100, s30;
	s14 =	sshrl.u32 s14, $0x2;
	v0 =	vld [tilespmem:s18+$0x0]  }
0x31: {  	v1 =	vld [tilespmem:s18+$0xFFFFFFE0];
	s16 =	sor.u32 $0x4000, s14  }
0x32: {  	s31 =	sshrl.u32 s15, $0x2;
	s15 =	sadd.s32 $0x0, s16  }
0x33: {  	s17 =	simm.s32 $0x4;
	s18 =	sadd.s32 $0x40, s18;
	s14 =	sor.u32 $0x4000, s31;
	[tilespmem:s15+$0x1830 ss:$0x81] =	vst.msk $0xffff, v3  }
.LBB1_3:
0x34: {  	v3 =	vld [tilespmem:s18+$0x10];
	p1 =	sne.s32 s17, $0x1FC;
	[tilespmem:s15+$0x810 ss:$0x81] =	vst.msk $0xffff, v2;
	s19 =	smov.u32 s17;
	s17 =	sadd.s32 $0x4, s17  }
.Ltmp3:
0x35: {  	v2 =	vld [tilespmem:s18+$0xFFFFFFF0];
	[tilespmem:s15+$0x1020 ss:$0x81] =	vst.msk $0xffff, v0;
	(pc) =	sbr.rel @p1 .LBB1_3-.Ltmp3, $4  }
0x36: {  	v0 =	vld [tilespmem:s18+$0x0];
	[tilespmem:s15+$0x0 ss:$0x81] =	vst.msk $0xffff, v1  }
0x37: {  	s15 =	sshra.s32 s19, $0x2;
	v1 =	vld [tilespmem:s18+$0xFFFFFFE0]  }
0x38: {  	s15 =	sadd.s32 s15, s16  }
0x39: {  	s18 =	sadd.s32 $0x40, s18;
	[tilespmem:s15+$0x1830 ss:$0x81] =	vst.msk $0xffff, v3  }
.Ltmp4:
0x3a: {  	_ = 	snop;
	(pc) =	sbr.rel .LBB1_4-.Ltmp4, $1  }
0x3b: {  	_ =	sdelay $0x3  }
.LBB1_6:
0x3c: {  	_ =	sfence.sel $0x180000  }
0x3d: {  	s2 =	simm.s32 $0x1;
	[bflag:$0x0] =	sbarrier.arrive $0xFFFF  }
0x3e: {  	s31 =	simm.s32 $0x2;
	[sflag:s2] =	ssyncpa.u1 $0x1  }
0x3f: {  	[sflag:s31] =	ssyncpa.u1 $0x1  }
0x40: {  	p0 =	sne.s32 s0, $0x0;
	_ =	strace $0x9000004D  }
0x41: {  	s0 =	sadd.s32 @!p0 $0x100000, s1;
	[bflag:$0x2] =	sbarrier.arrive $0xFFFF  }
0x42: {  	[sflag:s0] =	ssyncadd.tile.s32 @!p0 $0x1;
	_ =	shalt  }
.Lfunc_end1:
_tile_overlayer_lowered:
.L_overlay_start_2:
0x43: {  	(tag) =	ssettag $0x2  }
0x44: {  	s0 =	rddreg [dreg:$0x0];
	s2 =	stileid.u32  }
0x45: {  	s1 =	rddreg [dreg:$0x1];
	p0 =	sne.s32 s2, $0x0  }
0x46: {  	s3 =	rddreg [dreg:$0x2];
	[bflag:$0x3] =	sbarrier.arrive $0xFFFF;
	s2 =	simm.s32 @!p0 $0x1C01  }
0x47: {  	[timem:s3], [sflag:s2] =	dma.local @!p0 [hbm:s0], s1  }
0x48: {  	s0 =	simm.s32 @!p0 $0x1  }
0x49: {  	_ =	swait.ge @!p0 [sflag:s0], s1  }
0x4a: {  	s1 =	ssub.s32 @!p0 $0x0, s1;
	[sflag:s0] =	ssyncset.done @!p0 $0x0  }
0x4b: {  	[sflag:s0] =	ssyncadd.s32 @!p0 s1  }
0x4c: {  	[bflag:$0x3] =	sbarrier.arrive $0xFFFF  }
0x4d: {  	_ =	shalt  }

</sc_bundles>
